<compile_context>
chip_gen: v7x
topology: tpu7x:2x2x1
jax: 0.10.2.dev20260603
libtpu: 0.0.44.dev20260713+nightly
codegen_flags: <defaults>
</compile_context>

<pallas_src>
import functools

import jax
import jax.numpy as jnp
from jax import lax
from jax.experimental import pallas as pl
from jax.experimental.pallas import tpu as pltpu
from jax.experimental.pallas import tpu_sc as plsc

N_NODES = 10000
N_EDGES = 320000
D_FEAT = 128
D_POS = 3
D_CTX = 32

NC = 2
NS = 16
NW = NC * NS
EPW = N_EDGES // NW
CH = 100
NCHUNK = EPW // CH
IDXB = 10
NIDXB = NCHUNK // IDXB
ISLOTS = 3
DG = 144
DP = DG - D_FEAT
NACC = 10240
RPT = NACC // NS

NBUF = 2
LAG = 1

BLK = 1000
KRHS = 3 * D_FEAT + D_CTX + DP


def _sc_segment_sums(G, zeros, idx5):
  mesh = plsc.VectorSubcoreMesh(core_axis_name="c", subcore_axis_name="s")

  @functools.partial(
      pl.kernel,
      out_type=[jax.ShapeDtypeStruct((NC, NACC, D_FEAT), jnp.float32),
                jax.ShapeDtypeStruct((NC, NACC, DP), jnp.float32)],
      mesh=mesh,
      scratch_types=[
          pltpu.VMEM((ISLOTS, 2, IDXB, CH), jnp.int32),
          [pltpu.VMEM((CH, DG), jnp.float32)] * NBUF,
          pltpu.VMEM_SHARED((NACC, DG), jnp.float32),
          [pltpu.SemaphoreType.DMA] * NBUF,
          pltpu.SemaphoreType.DMA,
      ],
      compiler_params=pltpu.CompilerParams(use_tc_tiling_on_sc=False),
  )
  def k(g_hbm, z_hbm, idx_hbm, outx_hbm, outp_hbm, idxbuf, rows, acc, sems,
        isem):
    c = lax.axis_index("c")
    s = lax.axis_index("s")
    wid = c * NS + s
    pltpu.sync_copy(z_hbm.at[pl.ds(s * RPT, RPT)], acc.at[pl.ds(s * RPT, RPT)])
    plsc.subcore_barrier()

    def idxrow(cc, which):
      return idxbuf.at[(cc // IDXB) % ISLOTS, which, cc % IDXB]

    def gather_start(cc, b):
      pltpu.async_copy(g_hbm.at[idxrow(cc, 1)], rows[b], sems[b])

    def scatter_start(cc, b):
      pltpu.async_copy(rows[b], acc.at[idxrow(cc, 0)], sems[b], add=True)

    def drain(b):
      pltpu.make_async_copy(z_hbm.at[pl.ds(0, CH)], rows[b], sems[b]).wait()

    def stage_start(kb):
      sl = kb % ISLOTS
      pltpu.async_copy(idx_hbm.at[0, wid, kb], idxbuf.at[sl, 0], isem)
      pltpu.async_copy(idx_hbm.at[1, wid, kb], idxbuf.at[sl, 1], isem)

    def idrain():
      for _ in range(2):
        pltpu.make_async_copy(idx_hbm.at[0, 0, 0], idxbuf.at[0, 0],
                              isem).wait()

    stage_start(0)

    def outer(kb, carry):
      idrain()

      @pl.when(kb + 1 < NIDXB)
      def _():
        stage_start(kb + 1)

      def inner(tt, carry2):
        for b in range(NBUF):
          cc = kb * IDXB + tt * NBUF + b
          @pl.when(cc >= NBUF)
          def _():
            drain(b)
          gather_start(cc, b)
          c2 = cc - LAG
          b2 = (b - LAG) % NBUF

          @pl.when(c2 >= 0)
          def _():
            drain(b2)
            scatter_start(c2, b2)
        return carry2

      return lax.fori_loop(0, IDXB // NBUF, inner, carry)

    lax.fori_loop(0, NIDXB, outer, 0)
    for c2 in range(NCHUNK - LAG, NCHUNK):
      b2 = c2 % NBUF
      drain(b2)
      scatter_start(c2, b2)
    for b in range(NBUF):
      drain(b)
    plsc.subcore_barrier()
    pltpu.sync_copy(acc.at[pl.ds(s * RPT, RPT), pl.ds(0, D_FEAT)],
                    outx_hbm.at[c, pl.ds(s * RPT, RPT)])
    pltpu.sync_copy(acc.at[pl.ds(s * RPT, RPT), pl.ds(D_FEAT, DP)],
                    outp_hbm.at[c, pl.ds(s * RPT, RPT)])

  return k(G, zeros, idx5)


def _builder_body(x_ref, pos_ref, wa_ref, wb_ref, wc_ref, wd_ref, wax_ref,
                  wag_ref, b2m_ref, g_ref, p16_ref, rhs_ref, f5_ref):
  g_ref[:, :D_FEAT] = x_ref[...]
  p16 = jnp.concatenate(
      [pos_ref[...], jnp.ones((BLK, 1), jnp.float32),
       jnp.zeros((BLK, DP - D_POS - 1), jnp.float32)], axis=1)
  g_ref[:, D_FEAT:] = p16
  p16_ref[...] = p16

  @pl.when(pl.program_id(0) == 0)
  def _():
    hi = lax.Precision.HIGHEST
    wag = wag_ref[...]
    rhs_ref[0:D_FEAT, :] = jnp.dot(wa_ref[...] - wb_ref[...], wag,
                                   precision=hi)
    rhs_ref[D_FEAT:D_FEAT + D_CTX, :] = jnp.dot(wd_ref[...], wag,
                                                precision=hi)
    rhs_ref[D_FEAT + D_CTX:2 * D_FEAT + D_CTX, :] = jnp.dot(
        wb_ref[...], wag, precision=hi)
    c16 = jnp.concatenate(
        [wc_ref[...], jnp.zeros((DP - D_POS, D_FEAT), jnp.float32)], axis=0)
    rhs_ref[2 * D_FEAT + D_CTX:2 * D_FEAT + D_CTX + DP, :] = jnp.dot(
        c16, wag, precision=hi)
    rhs_ref[2 * D_FEAT + D_CTX + DP:, :] = wax_ref[...]
    f5_ref[...] = jnp.dot(b2m_ref[...], wag, precision=hi)


def _tc_builder(x, pos, WA, WB, WC, WD, WaX, WaG, b2m):
  full = lambda shape: pl.BlockSpec(shape, lambda b: (0,) * len(shape))
  return pl.pallas_call(
      _builder_body,
      grid=(N_NODES // BLK,),
      in_specs=[
          pl.BlockSpec((BLK, D_FEAT), lambda b: (b, 0)),
          pl.BlockSpec((BLK, D_POS), lambda b: (b, 0)),
          full((D_FEAT, D_FEAT)),
          full((D_FEAT, D_FEAT)),
          full((D_POS, D_FEAT)),
          full((D_CTX, D_FEAT)),
          full((D_FEAT, D_FEAT)),
          full((D_FEAT, D_FEAT)),
          full((1, D_FEAT)),
      ],
      out_specs=[
          pl.BlockSpec((BLK, DG), lambda b: (b, 0)),
          pl.BlockSpec((BLK, DP), lambda b: (b, 0)),
          full((KRHS, D_FEAT)),
          full((1, D_FEAT)),
      ],
      out_shape=[
          jax.ShapeDtypeStruct((N_NODES, DG), jnp.float32),
          jax.ShapeDtypeStruct((N_NODES, DP), jnp.float32),
          jax.ShapeDtypeStruct((KRHS, D_FEAT), jnp.float32),
          jax.ShapeDtypeStruct((1, D_FEAT), jnp.float32),
      ],
  )(x, pos, WA, WB, WC, WD, WaX, WaG, b2m)


def _epilogue_body(accx_ref, accp_ref, x_ref, gp_ref, w1m_ref, b1m_ref,
                   w1a_ref, b1a_ref, rhs_ref, f5_ref, b2a_ref, out_ref):
  Sx = accx_ref[0] + accx_ref[1]
  Sp16 = accp_ref[0] + accp_ref[1]
  cnt = Sp16[:, D_POS:D_POS + 1]
  has = (cnt > 0.0).astype(jnp.float32)
  inv = 1.0 / jnp.maximum(cnt, 1.0)
  xb = x_ref[...]
  Xm = Sx * inv
  Pm16 = Sp16 * inv - has * gp_ref[...]
  ctx = jnp.dot(jnp.dot(Pm16, w1m_ref[...]) + has * b1m_ref[...],
                w1a_ref[...]) + b1a_ref[...]
  M = jnp.concatenate([has * xb, has * ctx, Xm, Pm16, xb], axis=1)
  out_ref[...] = (jnp.dot(M, rhs_ref[...]) + has * f5_ref[...]
                  + b2a_ref[...])


def _tc_epilogue(accx, accp, x, P16, W1m16, b1m, W1a, b1a, RHS, F5, b2a):
  full = lambda shape: pl.BlockSpec(shape, lambda b: (0,) * len(shape))
  return pl.pallas_call(
      _epilogue_body,
      grid=(N_NODES // BLK,),
      in_specs=[
          pl.BlockSpec((NC, BLK, D_FEAT), lambda b: (0, b, 0)),
          pl.BlockSpec((NC, BLK, DP), lambda b: (0, b, 0)),
          pl.BlockSpec((BLK, D_FEAT), lambda b: (b, 0)),
          pl.BlockSpec((BLK, DP), lambda b: (b, 0)),
          full((DP, D_CTX)),
          full((1, D_CTX)),
          full((D_CTX, D_CTX)),
          full((1, D_CTX)),
          full((KRHS, D_FEAT)),
          full((1, D_FEAT)),
          full((1, D_FEAT)),
      ],
      out_specs=pl.BlockSpec((BLK, D_FEAT), lambda b: (b, 0)),
      out_shape=jax.ShapeDtypeStruct((N_NODES, D_FEAT), jnp.float32),
  )(accx, accp, x, P16, W1m16, b1m, W1a, b1a, RHS, F5, b2a)


def kernel(x, edge_index, pos, W1m, b1m, W1a, b1a, W2m, b2m, W2a, b2a):
  idx5 = edge_index.astype(jnp.int32).reshape(2, NW, NIDXB, IDXB, CH)
  zeros = jnp.zeros((NACC, DG), jnp.float32)
  WA = W2m[:D_FEAT]
  WB = W2m[D_FEAT:2 * D_FEAT]
  WC = W2m[2 * D_FEAT:2 * D_FEAT + D_POS]
  WD = W2m[2 * D_FEAT + D_POS:]
  G, P16, RHS, F5 = _tc_builder(x, pos, WA, WB, WC, WD, W2a[:D_FEAT],
                                W2a[D_FEAT:], b2m.reshape(1, -1))
  accx, accp = _sc_segment_sums(G, zeros, idx5)
  W1m16 = jnp.pad(W1m, ((0, DP - D_POS), (0, 0)))
  return _tc_epilogue(accx, accp, x, P16, W1m16, b1m.reshape(1, -1), W1a,
                      b1a.reshape(1, -1), RHS, F5, b2a.reshape(1, -1))

# --- scband reference (transcript-rebuilt; emitter-appended) ---
"""Pipeline reference for scband-model3-16484084483095 (READ-ONLY COPY).

The authoritative reference and input builder live on the scoring server;
editing this copy changes nothing except your own understanding.
"""

import jax, jax.numpy as jnp
import numpy as np

N_NODES = 10000
N_EDGES = 320000
D_FEAT = 128
D_POS = 3
D_CTX = 32


def _linear_params(key, fan_in, fan_out):
    k1, k2 = jax.random.split(key)
    bound = 1.0 / np.sqrt(fan_in)
    W = jax.random.uniform(k1, (fan_in, fan_out), minval=-bound, maxval=bound, dtype=jnp.float32)
    b = jax.random.uniform(k2, (fan_out,), minval=-bound, maxval=bound, dtype=jnp.float32)
    return W, b


def setup_inputs(seed: int = 0) -> dict:
    key = jax.random.key(seed)
    ks = jax.random.split(key, 8)
    x = jax.random.normal(ks[0], (N_NODES, D_FEAT), dtype=jnp.float32)
    edge_index = jax.random.randint(ks[1], (2, N_EDGES), 0, N_NODES, dtype=jnp.int64 if jax.config.jax_enable_x64 else jnp.int32)
    pos = jax.random.normal(ks[2], (N_NODES, D_POS), dtype=jnp.float32)
    W1m, b1m = _linear_params(ks[3], D_POS, D_CTX)
    W1a, b1a = _linear_params(ks[4], D_CTX, D_CTX)
    W2m, b2m = _linear_params(ks[5], 2 * D_FEAT + D_POS + D_CTX, D_FEAT)
    W2a, b2a = _linear_params(ks[6], 2 * D_FEAT, D_FEAT)
    return {"x": x, "edge_index": edge_index, "pos": pos,
            "W1m": W1m, "b1m": b1m, "W1a": W1a, "b1a": b1a,
            "W2m": W2m, "b2m": b2m, "W2a": W2a, "b2a": b2a}


def _segment_mean(vals, idx, num_segments):
    s = jax.ops.segment_sum(vals, idx, num_segments=num_segments)
    cnt = jax.ops.segment_sum(jnp.ones((vals.shape[0],), dtype=vals.dtype), idx, num_segments=num_segments)
    cnt = jnp.clip(cnt, 1.0, None)
    return s / cnt[:, None]


def reference(x, edge_index, pos, W1m, b1m, W1a, b1a, W2m, b2m, W2a, b2a):
    # flow='target_to_source': _i = edge_index[0], _j = edge_index[1];
    # aggregation is over index i = edge_index[0]
    idx_i = edge_index[0]
    idx_j = edge_index[1]
    pos_i = pos[idx_i]
    pos_j = pos[idx_j]
    # L1: EdgeConvGeomLayer (aggr='mean')
    m1 = (pos_j - pos_i) @ W1m + b1m
    aggr1 = _segment_mean(m1, idx_i, N_NODES)
    ctx = aggr1 @ W1a + b1a
    # L2: EdgeConvWithContext, neighbor_loc='position' (aggr='mean')
    x_i = x[idx_i]
    x_j = x[idx_j]
    ctx_i = ctx[idx_i]
    msg_in = jnp.concatenate([x_i, x_j - x_i, pos_j - pos_i, ctx_i], axis=1)
    m2 = msg_in @ W2m + b2m
    aggr2 = _segment_mean(m2, idx_i, N_NODES)
    upd_in = jnp.concatenate([x, aggr2], axis=1)
    out = upd_in @ W2a + b2a
    return out

if __name__ == "__main__":
    import jax
    _d = setup_inputs()
    print(jax.jit(kernel)(*tuple(_d.values())))

</pallas_src>

<mosaic_0001>
#map = affine_map<(d0, d1) -> (0, 0)>
#map1 = affine_map<(d0, d1) -> (0, 0, 0, 0, 0)>
#map2 = affine_map<(d0, d1) -> (0, 0, 0)>
module attributes {stable_mosaic.version = 14 : i64} {
  func.func @k(%arg0: i32, %arg1: i32, %arg2: memref<10000x144xf32, #tpu.memory_space<hbm>>, %arg3: memref<10240x144xf32, #tpu.memory_space<hbm>>, %arg4: memref<2x32x10x10x100xi32, #tpu.memory_space<hbm>>, %arg5: memref<2x10240x128xf32, #tpu.memory_space<hbm>>, %arg6: memref<2x10240x16xf32, #tpu.memory_space<hbm>>, %arg7: memref<3x2x10x100xi32, #tpu.memory_space<vmem>>, %arg8: memref<100x144xf32, #tpu.memory_space<vmem>>, %arg9: memref<100x144xf32, #tpu.memory_space<vmem>>, %arg10: memref<10240x144xf32, #tpu.memory_space<vmem_shared>>, %arg11: memref<!tpu.dma_semaphore, #tpu.memory_space<semaphore_mem>>, %arg12: memref<!tpu.dma_semaphore, #tpu.memory_space<semaphore_mem>>, %arg13: memref<!tpu.dma_semaphore, #tpu.memory_space<semaphore_mem>>) attributes {dimension_semantics = [#tpu.dimension_semantics<core_parallel>, #tpu.dimension_semantics<subcore_parallel>], iteration_bounds = array<i64: 2, 16>, scalar_prefetch = 0 : i64, scratch_operands = 7 : i64, tpu.core_type = #tpu.core_type<sc_vector_subcore>, window_params = [{transform_indices = #map}, {transform_indices = #map}, {transform_indices = #map1}, {transform_indices = #map2}, {transform_indices = #map2}]} {
    %mul3A = arith.constant 16 : i32
    %mul3A_0 = arith.muli %arg0, %mul3A : i32
    %add3A = arith.addi %mul3A_0, %arg1 : i32
    %mul3A_1 = arith.constant 640 : i32
    %mul3A_2 = arith.muli %arg1, %mul3A_1 : i32
    %mul3A_3 = arith.constant 640 : i32
    %mul3A_4 = arith.muli %arg1, %mul3A_3 : i32
    "tpu.region"() ({
      %run_scoped3A = tpu.sem_alloc : memref<!tpu.dma_semaphore, #tpu.memory_space<semaphore_mem>>
      %dma_start3A_84 = arith.constant 0 : i32
      %dma_start3A_85 = tpu.memref_slice %arg10[%mul3A_4, %dma_start3A_84] : memref<10240x144xf32, #tpu.memory_space<vmem_shared>> -> memref<640x144xf32, #tpu.memory_space<vmem_shared>>
      %dma_start3A_86 = arith.constant 0 : i32
      %dma_start3A_87 = tpu.memref_slice %arg3[%mul3A_2, %dma_start3A_86] : memref<10240x144xf32, #tpu.memory_space<hbm>> -> memref<640x144xf32, #tpu.memory_space<hbm>>
      tpu.enqueue_dma source(%dma_start3A_87 : memref<640x144xf32, #tpu.memory_space<hbm>>) target(%dma_start3A_85 : memref<640x144xf32, #tpu.memory_space<vmem_shared>>) target_semaphore(%run_scoped3A : memref<!tpu.dma_semaphore, #tpu.memory_space<semaphore_mem>>)
      %dma_wait3A_88 = arith.constant 0 : i32
      %dma_wait3A_89 = tpu.memref_slice %arg10[%mul3A_4, %dma_wait3A_88] : memref<10240x144xf32, #tpu.memory_space<vmem_shared>> -> memref<640x144xf32, #tpu.memory_space<vmem_shared>>
      %dma_wait3A_90 = arith.constant 0 : i32
      %dma_wait3A_91 = tpu.memref_slice %arg3[%mul3A_2, %dma_wait3A_90] : memref<10240x144xf32, #tpu.memory_space<hbm>> -> memref<640x144xf32, #tpu.memory_space<hbm>>
      tpu.wait_dma2 semaphore(%run_scoped3A : memref<!tpu.dma_semaphore, #tpu.memory_space<semaphore_mem>>) src(%dma_wait3A_91 : memref<640x144xf32, #tpu.memory_space<hbm>>) dst(%dma_wait3A_89 : memref<640x144xf32, #tpu.memory_space<vmem_shared>>)
      tpu.yield
    }) : () -> ()
    %barrier3A = arith.constant 0 : index
    tpu.barrier barrier_id(%barrier3A)
    %dma_start3A = arith.constant 0 : i32
    %dma_start3A_5 = arith.constant 0 : i32
    %dma_start3A_6 = arith.constant 0 : i32
    %dma_start3A_7 = arith.constant 0 : i32
    %dma_start3A_8 = arith.constant 0 : i32
    %dma_start3A_9 = arith.constant 0 : i32
    %dma_start3A_10 = tpu.memref_slice %arg7[%dma_start3A_6, %dma_start3A_7, %dma_start3A_8, %dma_start3A_9] : memref<3x2x10x100xi32, #tpu.memory_space<vmem>> -> memref<1x1x10x100xi32, #tpu.memory_space<vmem>>
    %dma_start3A_11 = tpu.memref_squeeze %dma_start3A_10 : memref<1x1x10x100xi32, #tpu.memory_space<vmem>> -> memref<10x100xi32, #tpu.memory_space<vmem>>
    %dma_start3A_12 = arith.constant 0 : i32
    %dma_start3A_13 = arith.constant 0 : i32
    %dma_start3A_14 = tpu.memref_slice %arg4[%dma_start3A, %add3A, %dma_start3A_5, %dma_start3A_12, %dma_start3A_13] : memref<2x32x10x10x100xi32, #tpu.memory_space<hbm>> -> memref<1x1x1x10x100xi32, #tpu.memory_space<hbm>>
    %dma_start3A_15 = tpu.memref_squeeze %dma_start3A_14 : memref<1x1x1x10x100xi32, #tpu.memory_space<hbm>> -> memref<10x100xi32, #tpu.memory_space<hbm>>
    %dma_start3A_16 = arith.constant 0 : i32
    %dma_start3A_17 = arith.constant 0 : i32
    %dma_start3A_18 = tpu.memref_slice %arg7[%dma_start3A_6, %dma_start3A_7, %dma_start3A_16, %dma_start3A_17] : memref<3x2x10x100xi32, #tpu.memory_space<vmem>> -> memref<1x1x10x100xi32, #tpu.memory_space<vmem>>
    %dma_start3A_19 = tpu.memref_squeeze %dma_start3A_18 : memref<1x1x10x100xi32, #tpu.memory_space<vmem>> -> memref<10x100xi32, #tpu.memory_space<vmem>>
    %dma_start3A_20 = arith.constant 0 : i32
    %dma_start3A_21 = arith.constant 0 : i32
    %dma_start3A_22 = tpu.memref_slice %arg4[%dma_start3A, %add3A, %dma_start3A_5, %dma_start3A_20, %dma_start3A_21] : memref<2x32x10x10x100xi32, #tpu.memory_space<hbm>> -> memref<1x1x1x10x100xi32, #tpu.memory_space<hbm>>
    %dma_start3A_23 = tpu.memref_squeeze %dma_start3A_22 : memref<1x1x1x10x100xi32, #tpu.memory_space<hbm>> -> memref<10x100xi32, #tpu.memory_space<hbm>>
    tpu.enqueue_dma source(%dma_start3A_23 : memref<10x100xi32, #tpu.memory_space<hbm>>) target(%dma_start3A_19 : memref<10x100xi32, #tpu.memory_space<vmem>>) target_semaphore(%arg13 : memref<!tpu.dma_semaphore, #tpu.memory_space<semaphore_mem>>)
    %dma_start3A_24 = arith.constant 1 : i32
    %dma_start3A_25 = arith.constant 0 : i32
    %dma_start3A_26 = arith.constant 0 : i32
    %dma_start3A_27 = arith.constant 1 : i32
    %dma_start3A_28 = arith.constant 0 : i32
    %dma_start3A_29 = arith.constant 0 : i32
    %dma_start3A_30 = tpu.memref_slice %arg7[%dma_start3A_26, %dma_start3A_27, %dma_start3A_28, %dma_start3A_29] : memref<3x2x10x100xi32, #tpu.memory_space<vmem>> -> memref<1x1x10x100xi32, #tpu.memory_space<vmem>>
    %dma_start3A_31 = tpu.memref_squeeze %dma_start3A_30 : memref<1x1x10x100xi32, #tpu.memory_space<vmem>> -> memref<10x100xi32, #tpu.memory_space<vmem>>
    %dma_start3A_32 = arith.constant 0 : i32
    %dma_start3A_33 = arith.constant 0 : i32
    %dma_start3A_34 = tpu.memref_slice %arg4[%dma_start3A_24, %add3A, %dma_start3A_25, %dma_start3A_32, %dma_start3A_33] : memref<2x32x10x10x100xi32, #tpu.memory_space<hbm>> -> memref<1x1x1x10x100xi32, #tpu.memory_space<hbm>>
    %dma_start3A_35 = tpu.memref_squeeze %dma_start3A_34 : memref<1x1x1x10x100xi32, #tpu.memory_space<hbm>> -> memref<10x100xi32, #tpu.memory_space<hbm>>
    %dma_start3A_36 = arith.constant 0 : i32
    %dma_start3A_37 = arith.constant 0 : i32
    %dma_start3A_38 = tpu.memref_slice %arg7[%dma_start3A_26, %dma_start3A_27, %dma_start3A_36, %dma_start3A_37] : memref<3x2x10x100xi32, #tpu.memory_space<vmem>> -> memref<1x1x10x100xi32, #tpu.memory_space<vmem>>
    %dma_start3A_39 = tpu.memref_squeeze %dma_start3A_38 : memref<1x1x10x100xi32, #tpu.memory_space<vmem>> -> memref<10x100xi32, #tpu.memory_space<vmem>>
    %dma_start3A_40 = arith.constant 0 : i32
    %dma_start3A_41 = arith.constant 0 : i32
    %dma_start3A_42 = tpu.memref_slice %arg4[%dma_start3A_24, %add3A, %dma_start3A_25, %dma_start3A_40, %dma_start3A_41] : memref<2x32x10x10x100xi32, #tpu.memory_space<hbm>> -> memref<1x1x1x10x100xi32, #tpu.memory_space<hbm>>
    %dma_start3A_43 = tpu.memref_squeeze %dma_start3A_42 : memref<1x1x1x10x100xi32, #tpu.memory_space<hbm>> -> memref<10x100xi32, #tpu.memory_space<hbm>>
    tpu.enqueue_dma source(%dma_start3A_43 : memref<10x100xi32, #tpu.memory_space<hbm>>) target(%dma_start3A_39 : memref<10x100xi32, #tpu.memory_space<vmem>>) target_semaphore(%arg13 : memref<!tpu.dma_semaphore, #tpu.memory_space<semaphore_mem>>)
    %scan3A = arith.constant 0 : i32
    %scan3A_44 = arith.constant 0 : i32
    %scan3A_45 = arith.constant 10 : i32
    %scan3A_46 = arith.addi %scan3A_44, %scan3A_45 : i32
    %scan3A_47 = arith.constant 1 : i32
    scf.for %scan3A_84 = %scan3A_44 to %scan3A_46 step %scan3A_47  : i32 {
      %dma_wait3A_85 = arith.constant 0 : i32
      %dma_wait3A_86 = arith.constant 0 : i32
      %dma_wait3A_87 = arith.constant 0 : i32
      %dma_wait3A_88 = arith.constant 0 : i32
      %dma_wait3A_89 = arith.constant 0 : i32
      %dma_wait3A_90 = arith.constant 0 : i32
      %dma_wait3A_91 = arith.constant 0 : i32
      %dma_wait3A_92 = tpu.memref_slice %arg7[%dma_wait3A_88, %dma_wait3A_89, %dma_wait3A_90, %dma_wait3A_91] : memref<3x2x10x100xi32, #tpu.memory_space<vmem>> -> memref<1x1x10x100xi32, #tpu.memory_space<vmem>>
      %dma_wait3A_93 = tpu.memref_squeeze %dma_wait3A_92 : memref<1x1x10x100xi32, #tpu.memory_space<vmem>> -> memref<10x100xi32, #tpu.memory_space<vmem>>
      %dma_wait3A_94 = arith.constant 0 : i32
      %dma_wait3A_95 = arith.constant 0 : i32
      %dma_wait3A_96 = tpu.memref_slice %arg4[%dma_wait3A_85, %dma_wait3A_86, %dma_wait3A_87, %dma_wait3A_94, %dma_wait3A_95] : memref<2x32x10x10x100xi32, #tpu.memory_space<hbm>> -> memref<1x1x1x10x100xi32, #tpu.memory_space<hbm>>
      %dma_wait3A_97 = tpu.memref_squeeze %dma_wait3A_96 : memref<1x1x1x10x100xi32, #tpu.memory_space<hbm>> -> memref<10x100xi32, #tpu.memory_space<hbm>>
      %dma_wait3A_98 = arith.constant 0 : i32
      %dma_wait3A_99 = arith.constant 0 : i32
      %dma_wait3A_100 = tpu.memref_slice %arg7[%dma_wait3A_88, %dma_wait3A_89, %dma_wait3A_98, %dma_wait3A_99] : memref<3x2x10x100xi32, #tpu.memory_space<vmem>> -> memref<1x1x10x100xi32, #tpu.memory_space<vmem>>
      %dma_wait3A_101 = tpu.memref_squeeze %dma_wait3A_100 : memref<1x1x10x100xi32, #tpu.memory_space<vmem>> -> memref<10x100xi32, #tpu.memory_space<vmem>>
      %dma_wait3A_102 = arith.constant 0 : i32
      %dma_wait3A_103 = arith.constant 0 : i32
      %dma_wait3A_104 = tpu.memref_slice %arg4[%dma_wait3A_85, %dma_wait3A_86, %dma_wait3A_87, %dma_wait3A_102, %dma_wait3A_103] : memref<2x32x10x10x100xi32, #tpu.memory_space<hbm>> -> memref<1x1x1x10x100xi32, #tpu.memory_space<hbm>>
      %dma_wait3A_105 = tpu.memref_squeeze %dma_wait3A_104 : memref<1x1x1x10x100xi32, #tpu.memory_space<hbm>> -> memref<10x100xi32, #tpu.memory_space<hbm>>
      tpu.wait_dma2 semaphore(%arg13 : memref<!tpu.dma_semaphore, #tpu.memory_space<semaphore_mem>>) src(%dma_wait3A_105 : memref<10x100xi32, #tpu.memory_space<hbm>>) dst(%dma_wait3A_101 : memref<10x100xi32, #tpu.memory_space<vmem>>)
      %dma_wait3A_106 = arith.constant 0 : i32
      %dma_wait3A_107 = arith.constant 0 : i32
      %dma_wait3A_108 = arith.constant 0 : i32
      %dma_wait3A_109 = arith.constant 0 : i32
      %dma_wait3A_110 = arith.constant 0 : i32
      %dma_wait3A_111 = arith.constant 0 : i32
      %dma_wait3A_112 = arith.constant 0 : i32
      %dma_wait3A_113 = tpu.memref_slice %arg7[%dma_wait3A_109, %dma_wait3A_110, %dma_wait3A_111, %dma_wait3A_112] : memref<3x2x10x100xi32, #tpu.memory_space<vmem>> -> memref<1x1x10x100xi32, #tpu.memory_space<vmem>>
      %dma_wait3A_114 = tpu.memref_squeeze %dma_wait3A_113 : memref<1x1x10x100xi32, #tpu.memory_space<vmem>> -> memref<10x100xi32, #tpu.memory_space<vmem>>
      %dma_wait3A_115 = arith.constant 0 : i32
      %dma_wait3A_116 = arith.constant 0 : i32
      %dma_wait3A_117 = tpu.memref_slice %arg4[%dma_wait3A_106, %dma_wait3A_107, %dma_wait3A_108, %dma_wait3A_115, %dma_wait3A_116] : memref<2x32x10x10x100xi32, #tpu.memory_space<hbm>> -> memref<1x1x1x10x100xi32, #tpu.memory_space<hbm>>
      %dma_wait3A_118 = tpu.memref_squeeze %dma_wait3A_117 : memref<1x1x1x10x100xi32, #tpu.memory_space<hbm>> -> memref<10x100xi32, #tpu.memory_space<hbm>>
      %dma_wait3A_119 = arith.constant 0 : i32
      %dma_wait3A_120 = arith.constant 0 : i32
      %dma_wait3A_121 = tpu.memref_slice %arg7[%dma_wait3A_109, %dma_wait3A_110, %dma_wait3A_119, %dma_wait3A_120] : memref<3x2x10x100xi32, #tpu.memory_space<vmem>> -> memref<1x1x10x100xi32, #tpu.memory_space<vmem>>
      %dma_wait3A_122 = tpu.memref_squeeze %dma_wait3A_121 : memref<1x1x10x100xi32, #tpu.memory_space<vmem>> -> memref<10x100xi32, #tpu.memory_space<vmem>>
      %dma_wait3A_123 = arith.constant 0 : i32
      %dma_wait3A_124 = arith.constant 0 : i32
      %dma_wait3A_125 = tpu.memref_slice %arg4[%dma_wait3A_106, %dma_wait3A_107, %dma_wait3A_108, %dma_wait3A_123, %dma_wait3A_124] : memref<2x32x10x10x100xi32, #tpu.memory_space<hbm>> -> memref<1x1x1x10x100xi32, #tpu.memory_space<hbm>>
      %dma_wait3A_126 = tpu.memref_squeeze %dma_wait3A_125 : memref<1x1x1x10x100xi32, #tpu.memory_space<hbm>> -> memref<10x100xi32, #tpu.memory_space<hbm>>
      tpu.wait_dma2 semaphore(%arg13 : memref<!tpu.dma_semaphore, #tpu.memory_space<semaphore_mem>>) src(%dma_wait3A_126 : memref<10x100xi32, #tpu.memory_space<hbm>>) dst(%dma_wait3A_122 : memref<10x100xi32, #tpu.memory_space<vmem>>)
      %add3A_127 = arith.constant 1 : i32
      %add3A_128 = arith.addi %scan3A_84, %add3A_127 : i32
      %lt3A = arith.constant 10 : i32
      %lt3A_129 = arith.cmpi slt, %add3A_128, %lt3A : i32
      %convert_element_type3A = arith.extui %lt3A_129 : i1 to i32
      %cond3A = arith.constant 0 : i32
      %cond3A_130 = arith.cmpi ne, %convert_element_type3A, %cond3A : i32
      scf.if %cond3A_130 {
        %add3A_136 = arith.constant 1 : i32
        %add3A_137 = arith.addi %scan3A_84, %add3A_136 : i32
        %jit3A = arith.constant 3 : i32
        %eq3A = arith.constant 0 : i32
        %eq3A_138 = arith.cmpi eq, %jit3A, %eq3A : i32
        %jit3A_139 = arith.constant 1 : i32
        %select_n3A = arith.select %eq3A_138, %jit3A_139, %jit3A : i32
        %rem3A = arith.remsi %add3A_137, %select_n3A : i32
        %ne3A = arith.constant 0 : i32
        %ne3A_140 = arith.cmpi ne, %rem3A, %ne3A : i32
        %lt3A_141 = arith.constant 0 : i32
        %lt3A_142 = arith.cmpi slt, %rem3A, %lt3A_141 : i32
        %lt3A_143 = arith.constant 0 : i32
        %lt3A_144 = arith.cmpi slt, %select_n3A, %lt3A_143 : i32
        %ne3A_145 = arith.xori %lt3A_142, %lt3A_144 : i1
        %and3A = arith.andi %ne3A_145, %ne3A_140 : i1
        %add3A_146 = arith.addi %rem3A, %select_n3A : i32
        %select_n3A_147 = arith.select %and3A, %add3A_146, %rem3A : i32
        %dma_start3A_148 = arith.constant 0 : i32
        %dma_start3A_149 = arith.constant 0 : i32
        %dma_start3A_150 = arith.constant 0 : i32
        %dma_start3A_151 = arith.constant 0 : i32
        %dma_start3A_152 = tpu.memref_slice %arg7[%select_n3A_147, %dma_start3A_149, %dma_start3A_150, %dma_start3A_151] : memref<3x2x10x100xi32, #tpu.memory_space<vmem>> -> memref<1x1x10x100xi32, #tpu.memory_space<vmem>>
        %dma_start3A_153 = tpu.memref_squeeze %dma_start3A_152 : memref<1x1x10x100xi32, #tpu.memory_space<vmem>> -> memref<10x100xi32, #tpu.memory_space<vmem>>
        %dma_start3A_154 = arith.constant 0 : i32
        %dma_start3A_155 = arith.constant 0 : i32
        %dma_start3A_156 = tpu.memref_slice %arg4[%dma_start3A_148, %add3A, %add3A_137, %dma_start3A_154, %dma_start3A_155] : memref<2x32x10x10x100xi32, #tpu.memory_space<hbm>> -> memref<1x1x1x10x100xi32, #tpu.memory_space<hbm>>
        %dma_start3A_157 = tpu.memref_squeeze %dma_start3A_156 : memref<1x1x1x10x100xi32, #tpu.memory_space<hbm>> -> memref<10x100xi32, #tpu.memory_space<hbm>>
        %dma_start3A_158 = arith.constant 0 : i32
        %dma_start3A_159 = arith.constant 0 : i32
        %dma_start3A_160 = tpu.memref_slice %arg7[%select_n3A_147, %dma_start3A_149, %dma_start3A_158, %dma_start3A_159] : memref<3x2x10x100xi32, #tpu.memory_space<vmem>> -> memref<1x1x10x100xi32, #tpu.memory_space<vmem>>
        %dma_start3A_161 = tpu.memref_squeeze %dma_start3A_160 : memref<1x1x10x100xi32, #tpu.memory_space<vmem>> -> memref<10x100xi32, #tpu.memory_space<vmem>>
        %dma_start3A_162 = arith.constant 0 : i32
        %dma_start3A_163 = arith.constant 0 : i32
        %dma_start3A_164 = tpu.memref_slice %arg4[%dma_start3A_148, %add3A, %add3A_137, %dma_start3A_162, %dma_start3A_163] : memref<2x32x10x10x100xi32, #tpu.memory_space<hbm>> -> memref<1x1x1x10x100xi32, #tpu.memory_space<hbm>>
        %dma_start3A_165 = tpu.memref_squeeze %dma_start3A_164 : memref<1x1x1x10x100xi32, #tpu.memory_space<hbm>> -> memref<10x100xi32, #tpu.memory_space<hbm>>
        tpu.enqueue_dma source(%dma_start3A_165 : memref<10x100xi32, #tpu.memory_space<hbm>>) target(%dma_start3A_161 : memref<10x100xi32, #tpu.memory_space<vmem>>) target_semaphore(%arg13 : memref<!tpu.dma_semaphore, #tpu.memory_space<semaphore_mem>>)
        %dma_start3A_166 = arith.constant 1 : i32
        %dma_start3A_167 = arith.constant 1 : i32
        %dma_start3A_168 = arith.constant 0 : i32
        %dma_start3A_169 = arith.constant 0 : i32
        %dma_start3A_170 = tpu.memref_slice %arg7[%select_n3A_147, %dma_start3A_167, %dma_start3A_168, %dma_start3A_169] : memref<3x2x10x100xi32, #tpu.memory_space<vmem>> -> memref<1x1x10x100xi32, #tpu.memory_space<vmem>>
        %dma_start3A_171 = tpu.memref_squeeze %dma_start3A_170 : memref<1x1x10x100xi32, #tpu.memory_space<vmem>> -> memref<10x100xi32, #tpu.memory_space<vmem>>
        %dma_start3A_172 = arith.constant 0 : i32
        %dma_start3A_173 = arith.constant 0 : i32
        %dma_start3A_174 = tpu.memref_slice %arg4[%dma_start3A_166, %add3A, %add3A_137, %dma_start3A_172, %dma_start3A_173] : memref<2x32x10x10x100xi32, #tpu.memory_space<hbm>> -> memref<1x1x1x10x100xi32, #tpu.memory_space<hbm>>
        %dma_start3A_175 = tpu.memref_squeeze %dma_start3A_174 : memref<1x1x1x10x100xi32, #tpu.memory_space<hbm>> -> memref<10x100xi32, #tpu.memory_space<hbm>>
        %dma_start3A_176 = arith.constant 0 : i32
        %dma_start3A_177 = arith.constant 0 : i32
        %dma_start3A_178 = tpu.memref_slice %arg7[%select_n3A_147, %dma_start3A_167, %dma_start3A_176, %dma_start3A_177] : memref<3x2x10x100xi32, #tpu.memory_space<vmem>> -> memref<1x1x10x100xi32, #tpu.memory_space<vmem>>
        %dma_start3A_179 = tpu.memref_squeeze %dma_start3A_178 : memref<1x1x10x100xi32, #tpu.memory_space<vmem>> -> memref<10x100xi32, #tpu.memory_space<vmem>>
        %dma_start3A_180 = arith.constant 0 : i32
        %dma_start3A_181 = arith.constant 0 : i32
        %dma_start3A_182 = tpu.memref_slice %arg4[%dma_start3A_166, %add3A, %add3A_137, %dma_start3A_180, %dma_start3A_181] : memref<2x32x10x10x100xi32, #tpu.memory_space<hbm>> -> memref<1x1x1x10x100xi32, #tpu.memory_space<hbm>>
        %dma_start3A_183 = tpu.memref_squeeze %dma_start3A_182 : memref<1x1x1x10x100xi32, #tpu.memory_space<hbm>> -> memref<10x100xi32, #tpu.memory_space<hbm>>
        tpu.enqueue_dma source(%dma_start3A_183 : memref<10x100xi32, #tpu.memory_space<hbm>>) target(%dma_start3A_179 : memref<10x100xi32, #tpu.memory_space<vmem>>) target_semaphore(%arg13 : memref<!tpu.dma_semaphore, #tpu.memory_space<semaphore_mem>>)
      } else {
      }
      %scan3A_131 = arith.constant 0 : i32
      %scan3A_132 = arith.constant 5 : i32
      %scan3A_133 = arith.addi %scan3A_131, %scan3A_132 : i32
      %scan3A_134 = arith.constant 1 : i32
      scf.for %scan3A_136 = %scan3A_131 to %scan3A_133 step %scan3A_134  : i32 {
        %mul3A_137 = arith.constant 10 : i32
        %mul3A_138 = arith.muli %scan3A_84, %mul3A_137 : i32
        %mul3A_139 = arith.constant 2 : i32
        %mul3A_140 = arith.muli %scan3A_136, %mul3A_139 : i32
        %add3A_141 = arith.addi %mul3A_138, %mul3A_140 : i32
        %add3A_142 = arith.constant 0 : i32
        %add3A_143 = arith.addi %add3A_141, %add3A_142 : i32
        %ge3A = arith.constant 2 : i32
        %ge3A_144 = arith.cmpi sge, %add3A_143, %ge3A : i32
        %convert_element_type3A_145 = arith.extui %ge3A_144 : i1 to i32
        %cond3A_146 = arith.constant 0 : i32
        %cond3A_147 = arith.cmpi ne, %convert_element_type3A_145, %cond3A_146 : i32
        scf.if %cond3A_147 {
          %dma_wait3A_291 = arith.constant 0 : i32
          %dma_wait3A_292 = arith.constant 0 : i32
          %dma_wait3A_293 = tpu.memref_slice %arg3[%dma_wait3A_291, %dma_wait3A_292] : memref<10240x144xf32, #tpu.memory_space<hbm>> -> memref<100x144xf32, #tpu.memory_space<hbm>>
          %dma_wait3A_294 = arith.constant 0 : i32
          %dma_wait3A_295 = arith.constant 0 : i32
          %dma_wait3A_296 = tpu.memref_slice %arg3[%dma_wait3A_294, %dma_wait3A_295] : memref<10240x144xf32, #tpu.memory_space<hbm>> -> memref<100x144xf32, #tpu.memory_space<hbm>>
          tpu.wait_dma2 semaphore(%arg11 : memref<!tpu.dma_semaphore, #tpu.memory_space<semaphore_mem>>) src(%dma_wait3A_296 : memref<100x144xf32, #tpu.memory_space<hbm>>) dst(%arg8 : memref<100x144xf32, #tpu.memory_space<vmem>>)
        } else {
        }
        %jit3A = arith.constant 10 : i32
        %div3A = arith.divsi %add3A_143, %jit3A : i32
        %sign3A = arith.constant 0 : i32
        %sign3A_148 = arith.cmpi sgt, %add3A_143, %sign3A : i32
        %sign3A_149 = arith.extui %sign3A_148 : i1 to i32
        %sign3A_150 = arith.constant 0 : i32
        %sign3A_151 = arith.cmpi slt, %add3A_143, %sign3A_150 : i32
        %sign3A_152 = arith.extui %sign3A_151 : i1 to i32
        %sign3A_153 = arith.subi %sign3A_149, %sign3A_152 : i32
        %sign3A_154 = arith.constant 0 : i32
        %sign3A_155 = arith.cmpi sgt, %jit3A, %sign3A_154 : i32
        %sign3A_156 = arith.extui %sign3A_155 : i1 to i32
        %sign3A_157 = arith.constant 0 : i32
        %sign3A_158 = arith.cmpi slt, %jit3A, %sign3A_157 : i32
        %sign3A_159 = arith.extui %sign3A_158 : i1 to i32
        %sign3A_160 = arith.subi %sign3A_156, %sign3A_159 : i32
        %ne3A = arith.cmpi ne, %sign3A_153, %sign3A_160 : i32
        %rem3A = arith.remsi %add3A_143, %jit3A : i32
        %ne3A_161 = arith.constant 0 : i32
        %ne3A_162 = arith.cmpi ne, %rem3A, %ne3A_161 : i32
        %and3A = arith.andi %ne3A, %ne3A_162 : i1
        %sub3A = arith.constant 1 : i32
        %sub3A_163 = arith.subi %div3A, %sub3A : i32
        %select_n3A = arith.select %and3A, %sub3A_163, %div3A : i32
        %jit3A_164 = arith.constant 3 : i32
        %eq3A = arith.constant 0 : i32
        %eq3A_165 = arith.cmpi eq, %jit3A_164, %eq3A : i32
        %jit3A_166 = arith.constant 1 : i32
        %select_n3A_167 = arith.select %eq3A_165, %jit3A_166, %jit3A_164 : i32
        %rem3A_168 = arith.remsi %select_n3A, %select_n3A_167 : i32
        %ne3A_169 = arith.constant 0 : i32
        %ne3A_170 = arith.cmpi ne, %rem3A_168, %ne3A_169 : i32
        %lt3A_171 = arith.constant 0 : i32
        %lt3A_172 = arith.cmpi slt, %rem3A_168, %lt3A_171 : i32
        %lt3A_173 = arith.constant 0 : i32
        %lt3A_174 = arith.cmpi slt, %select_n3A_167, %lt3A_173 : i32
        %ne3A_175 = arith.xori %lt3A_172, %lt3A_174 : i1
        %and3A_176 = arith.andi %ne3A_175, %ne3A_170 : i1
        %add3A_177 = arith.addi %rem3A_168, %select_n3A_167 : i32
        %select_n3A_178 = arith.select %and3A_176, %add3A_177, %rem3A_168 : i32
        %jit3A_179 = arith.constant 10 : i32
        %eq3A_180 = arith.constant 0 : i32
        %eq3A_181 = arith.cmpi eq, %jit3A_179, %eq3A_180 : i32
        %jit3A_182 = arith.constant 1 : i32
        %select_n3A_183 = arith.select %eq3A_181, %jit3A_182, %jit3A_179 : i32
        %rem3A_184 = arith.remsi %add3A_143, %select_n3A_183 : i32
        %ne3A_185 = arith.constant 0 : i32
        %ne3A_186 = arith.cmpi ne, %rem3A_184, %ne3A_185 : i32
        %lt3A_187 = arith.constant 0 : i32
        %lt3A_188 = arith.cmpi slt, %rem3A_184, %lt3A_187 : i32
        %lt3A_189 = arith.constant 0 : i32
        %lt3A_190 = arith.cmpi slt, %select_n3A_183, %lt3A_189 : i32
        %ne3A_191 = arith.xori %lt3A_188, %lt3A_190 : i1
        %and3A_192 = arith.andi %ne3A_191, %ne3A_186 : i1
        %add3A_193 = arith.addi %rem3A_184, %select_n3A_183 : i32
        %select_n3A_194 = arith.select %and3A_192, %add3A_193, %rem3A_184 : i32
        %dma_start3A_195 = arith.constant 1 : i32
        %dma_start3A_196 = arith.constant 0 : i32
        %dma_start3A_197 = tpu.memref_slice %arg7[%select_n3A_178, %dma_start3A_195, %select_n3A_194, %dma_start3A_196] : memref<3x2x10x100xi32, #tpu.memory_space<vmem>> -> memref<1x1x1x100xi32, #tpu.memory_space<vmem>>
        %dma_start3A_198 = tpu.memref_squeeze %dma_start3A_197 : memref<1x1x1x100xi32, #tpu.memory_space<vmem>> -> memref<100xi32, #tpu.memory_space<vmem>>
        %dma_start3A_199 = arith.constant 0 : i32
        %dma_start3A_200 = arith.constant 0 : i32
        %dma_start3A_201 = tpu.memref_slice %arg2[%dma_start3A_199, %dma_start3A_200] : memref<10000x144xf32, #tpu.memory_space<hbm>> -> memref<10000x144xf32, #tpu.memory_space<hbm>>
        tpu.enqueue_indirect_dma source(%dma_start3A_201 : memref<10000x144xf32, #tpu.memory_space<hbm>>) target(%arg8 : memref<100x144xf32, #tpu.memory_space<vmem>>) offsets(%dma_start3A_198 : memref<100xi32, #tpu.memory_space<vmem>>) semaphore(%arg11 : memref<!tpu.dma_semaphore, #tpu.memory_space<semaphore_mem>>)
        %sub3A_202 = arith.constant 1 : i32
        %sub3A_203 = arith.subi %add3A_143, %sub3A_202 : i32
        %ge3A_204 = arith.constant 0 : i32
        %ge3A_205 = arith.cmpi sge, %sub3A_203, %ge3A_204 : i32
        %convert_element_type3A_206 = arith.extui %ge3A_205 : i1 to i32
        %cond3A_207 = arith.constant 0 : i32
        %cond3A_208 = arith.cmpi ne, %convert_element_type3A_206, %cond3A_207 : i32
        scf.if %cond3A_208 {
          %dma_wait3A_291 = arith.constant 0 : i32
          %dma_wait3A_292 = arith.constant 0 : i32
          %dma_wait3A_293 = tpu.memref_slice %arg3[%dma_wait3A_291, %dma_wait3A_292] : memref<10240x144xf32, #tpu.memory_space<hbm>> -> memref<100x144xf32, #tpu.memory_space<hbm>>
          %dma_wait3A_294 = arith.constant 0 : i32
          %dma_wait3A_295 = arith.constant 0 : i32
          %dma_wait3A_296 = tpu.memref_slice %arg3[%dma_wait3A_294, %dma_wait3A_295] : memref<10240x144xf32, #tpu.memory_space<hbm>> -> memref<100x144xf32, #tpu.memory_space<hbm>>
          tpu.wait_dma2 semaphore(%arg12 : memref<!tpu.dma_semaphore, #tpu.memory_space<semaphore_mem>>) src(%dma_wait3A_296 : memref<100x144xf32, #tpu.memory_space<hbm>>) dst(%arg9 : memref<100x144xf32, #tpu.memory_space<vmem>>)
          %jit3A_297 = arith.constant 10 : i32
          %div3A_298 = arith.divsi %sub3A_203, %jit3A_297 : i32
          %sign3A_299 = arith.constant 0 : i32
          %sign3A_300 = arith.cmpi sgt, %sub3A_203, %sign3A_299 : i32
          %sign3A_301 = arith.extui %sign3A_300 : i1 to i32
          %sign3A_302 = arith.constant 0 : i32
          %sign3A_303 = arith.cmpi slt, %sub3A_203, %sign3A_302 : i32
          %sign3A_304 = arith.extui %sign3A_303 : i1 to i32
          %sign3A_305 = arith.subi %sign3A_301, %sign3A_304 : i32
          %sign3A_306 = arith.constant 0 : i32
          %sign3A_307 = arith.cmpi sgt, %jit3A_297, %sign3A_306 : i32
          %sign3A_308 = arith.extui %sign3A_307 : i1 to i32
          %sign3A_309 = arith.constant 0 : i32
          %sign3A_310 = arith.cmpi slt, %jit3A_297, %sign3A_309 : i32
          %sign3A_311 = arith.extui %sign3A_310 : i1 to i32
          %sign3A_312 = arith.subi %sign3A_308, %sign3A_311 : i32
          %ne3A_313 = arith.cmpi ne, %sign3A_305, %sign3A_312 : i32
          %rem3A_314 = arith.remsi %sub3A_203, %jit3A_297 : i32
          %ne3A_315 = arith.constant 0 : i32
          %ne3A_316 = arith.cmpi ne, %rem3A_314, %ne3A_315 : i32
          %and3A_317 = arith.andi %ne3A_313, %ne3A_316 : i1
          %sub3A_318 = arith.constant 1 : i32
          %sub3A_319 = arith.subi %div3A_298, %sub3A_318 : i32
          %select_n3A_320 = arith.select %and3A_317, %sub3A_319, %div3A_298 : i32
          %jit3A_321 = arith.constant 3 : i32
          %eq3A_322 = arith.constant 0 : i32
          %eq3A_323 = arith.cmpi eq, %jit3A_321, %eq3A_322 : i32
          %jit3A_324 = arith.constant 1 : i32
          %select_n3A_325 = arith.select %eq3A_323, %jit3A_324, %jit3A_321 : i32
          %rem3A_326 = arith.remsi %select_n3A_320, %select_n3A_325 : i32
          %ne3A_327 = arith.constant 0 : i32
          %ne3A_328 = arith.cmpi ne, %rem3A_326, %ne3A_327 : i32
          %lt3A_329 = arith.constant 0 : i32
          %lt3A_330 = arith.cmpi slt, %rem3A_326, %lt3A_329 : i32
          %lt3A_331 = arith.constant 0 : i32
          %lt3A_332 = arith.cmpi slt, %select_n3A_325, %lt3A_331 : i32
          %ne3A_333 = arith.xori %lt3A_330, %lt3A_332 : i1
          %and3A_334 = arith.andi %ne3A_333, %ne3A_328 : i1
          %add3A_335 = arith.addi %rem3A_326, %select_n3A_325 : i32
          %select_n3A_336 = arith.select %and3A_334, %add3A_335, %rem3A_326 : i32
          %jit3A_337 = arith.constant 10 : i32
          %eq3A_338 = arith.constant 0 : i32
          %eq3A_339 = arith.cmpi eq, %jit3A_337, %eq3A_338 : i32
          %jit3A_340 = arith.constant 1 : i32
          %select_n3A_341 = arith.select %eq3A_339, %jit3A_340, %jit3A_337 : i32
          %rem3A_342 = arith.remsi %sub3A_203, %select_n3A_341 : i32
          %ne3A_343 = arith.constant 0 : i32
          %ne3A_344 = arith.cmpi ne, %rem3A_342, %ne3A_343 : i32
          %lt3A_345 = arith.constant 0 : i32
          %lt3A_346 = arith.cmpi slt, %rem3A_342, %lt3A_345 : i32
          %lt3A_347 = arith.constant 0 : i32
          %lt3A_348 = arith.cmpi slt, %select_n3A_341, %lt3A_347 : i32
          %ne3A_349 = arith.xori %lt3A_346, %lt3A_348 : i1
          %and3A_350 = arith.andi %ne3A_349, %ne3A_344 : i1
          %add3A_351 = arith.addi %rem3A_342, %select_n3A_341 : i32
          %select_n3A_352 = arith.select %and3A_350, %add3A_351, %rem3A_342 : i32
          %dma_start3A_353 = arith.constant 0 : i32
          %dma_start3A_354 = arith.constant 0 : i32
          %dma_start3A_355 = tpu.memref_slice %arg7[%select_n3A_336, %dma_start3A_353, %select_n3A_352, %dma_start3A_354] : memref<3x2x10x100xi32, #tpu.memory_space<vmem>> -> memref<1x1x1x100xi32, #tpu.memory_space<vmem>>
          %dma_start3A_356 = tpu.memref_squeeze %dma_start3A_355 : memref<1x1x1x100xi32, #tpu.memory_space<vmem>> -> memref<100xi32, #tpu.memory_space<vmem>>
          %dma_start3A_357 = arith.constant 0 : i32
          %dma_start3A_358 = arith.constant 0 : i32
          %dma_start3A_359 = tpu.memref_slice %arg10[%dma_start3A_357, %dma_start3A_358] : memref<10240x144xf32, #tpu.memory_space<vmem_shared>> -> memref<10240x144xf32, #tpu.memory_space<vmem_shared>>
          tpu.enqueue_indirect_dma source(%arg9 : memref<100x144xf32, #tpu.memory_space<vmem>>) target(%dma_start3A_359 : memref<10240x144xf32, #tpu.memory_space<vmem_shared>>) offsets(%dma_start3A_356 : memref<100xi32, #tpu.memory_space<vmem>>) semaphore(%arg12 : memref<!tpu.dma_semaphore, #tpu.memory_space<semaphore_mem>>) {add = true}
        } else {
        }
        %mul3A_209 = arith.constant 10 : i32
        %mul3A_210 = arith.muli %scan3A_84, %mul3A_209 : i32
        %mul3A_211 = arith.constant 2 : i32
        %mul3A_212 = arith.muli %scan3A_136, %mul3A_211 : i32
        %add3A_213 = arith.addi %mul3A_210, %mul3A_212 : i32
        %add3A_214 = arith.constant 1 : i32
        %add3A_215 = arith.addi %add3A_213, %add3A_214 : i32
        %ge3A_216 = arith.constant 2 : i32
        %ge3A_217 = arith.cmpi sge, %add3A_215, %ge3A_216 : i32
        %convert_element_type3A_218 = arith.extui %ge3A_217 : i1 to i32
        %cond3A_219 = arith.constant 0 : i32
        %cond3A_220 = arith.cmpi ne, %convert_element_type3A_218, %cond3A_219 : i32
        scf.if %cond3A_220 {
          %dma_wait3A_291 = arith.constant 0 : i32
          %dma_wait3A_292 = arith.constant 0 : i32
          %dma_wait3A_293 = tpu.memref_slice %arg3[%dma_wait3A_291, %dma_wait3A_292] : memref<10240x144xf32, #tpu.memory_space<hbm>> -> memref<100x144xf32, #tpu.memory_space<hbm>>
          %dma_wait3A_294 = arith.constant 0 : i32
          %dma_wait3A_295 = arith.constant 0 : i32
          %dma_wait3A_296 = tpu.memref_slice %arg3[%dma_wait3A_294, %dma_wait3A_295] : memref<10240x144xf32, #tpu.memory_space<hbm>> -> memref<100x144xf32, #tpu.memory_space<hbm>>
          tpu.wait_dma2 semaphore(%arg12 : memref<!tpu.dma_semaphore, #tpu.memory_space<semaphore_mem>>) src(%dma_wait3A_296 : memref<100x144xf32, #tpu.memory_space<hbm>>) dst(%arg9 : memref<100x144xf32, #tpu.memory_space<vmem>>)
        } else {
        }
        %jit3A_221 = arith.constant 10 : i32
        %div3A_222 = arith.divsi %add3A_215, %jit3A_221 : i32
        %sign3A_223 = arith.constant 0 : i32
        %sign3A_224 = arith.cmpi sgt, %add3A_215, %sign3A_223 : i32
        %sign3A_225 = arith.extui %sign3A_224 : i1 to i32
        %sign3A_226 = arith.constant 0 : i32
        %sign3A_227 = arith.cmpi slt, %add3A_215, %sign3A_226 : i32
        %sign3A_228 = arith.extui %sign3A_227 : i1 to i32
        %sign3A_229 = arith.subi %sign3A_225, %sign3A_228 : i32
        %sign3A_230 = arith.constant 0 : i32
        %sign3A_231 = arith.cmpi sgt, %jit3A_221, %sign3A_230 : i32
        %sign3A_232 = arith.extui %sign3A_231 : i1 to i32
        %sign3A_233 = arith.constant 0 : i32
        %sign3A_234 = arith.cmpi slt, %jit3A_221, %sign3A_233 : i32
        %sign3A_235 = arith.extui %sign3A_234 : i1 to i32
        %sign3A_236 = arith.subi %sign3A_232, %sign3A_235 : i32
        %ne3A_237 = arith.cmpi ne, %sign3A_229, %sign3A_236 : i32
        %rem3A_238 = arith.remsi %add3A_215, %jit3A_221 : i32
        %ne3A_239 = arith.constant 0 : i32
        %ne3A_240 = arith.cmpi ne, %rem3A_238, %ne3A_239 : i32
        %and3A_241 = arith.andi %ne3A_237, %ne3A_240 : i1
        %sub3A_242 = arith.constant 1 : i32
        %sub3A_243 = arith.subi %div3A_222, %sub3A_242 : i32
        %select_n3A_244 = arith.select %and3A_241, %sub3A_243, %div3A_222 : i32
        %jit3A_245 = arith.constant 3 : i32
        %eq3A_246 = arith.constant 0 : i32
        %eq3A_247 = arith.cmpi eq, %jit3A_245, %eq3A_246 : i32
        %jit3A_248 = arith.constant 1 : i32
        %select_n3A_249 = arith.select %eq3A_247, %jit3A_248, %jit3A_245 : i32
        %rem3A_250 = arith.remsi %select_n3A_244, %select_n3A_249 : i32
        %ne3A_251 = arith.constant 0 : i32
        %ne3A_252 = arith.cmpi ne, %rem3A_250, %ne3A_251 : i32
        %lt3A_253 = arith.constant 0 : i32
        %lt3A_254 = arith.cmpi slt, %rem3A_250, %lt3A_253 : i32
        %lt3A_255 = arith.constant 0 : i32
        %lt3A_256 = arith.cmpi slt, %select_n3A_249, %lt3A_255 : i32
        %ne3A_257 = arith.xori %lt3A_254, %lt3A_256 : i1
        %and3A_258 = arith.andi %ne3A_257, %ne3A_252 : i1
        %add3A_259 = arith.addi %rem3A_250, %select_n3A_249 : i32
        %select_n3A_260 = arith.select %and3A_258, %add3A_259, %rem3A_250 : i32
        %jit3A_261 = arith.constant 10 : i32
        %eq3A_262 = arith.constant 0 : i32
        %eq3A_263 = arith.cmpi eq, %jit3A_261, %eq3A_262 : i32
        %jit3A_264 = arith.constant 1 : i32
        %select_n3A_265 = arith.select %eq3A_263, %jit3A_264, %jit3A_261 : i32
        %rem3A_266 = arith.remsi %add3A_215, %select_n3A_265 : i32
        %ne3A_267 = arith.constant 0 : i32
        %ne3A_268 = arith.cmpi ne, %rem3A_266, %ne3A_267 : i32
        %lt3A_269 = arith.constant 0 : i32
        %lt3A_270 = arith.cmpi slt, %rem3A_266, %lt3A_269 : i32
        %lt3A_271 = arith.constant 0 : i32
        %lt3A_272 = arith.cmpi slt, %select_n3A_265, %lt3A_271 : i32
        %ne3A_273 = arith.xori %lt3A_270, %lt3A_272 : i1
        %and3A_274 = arith.andi %ne3A_273, %ne3A_268 : i1
        %add3A_275 = arith.addi %rem3A_266, %select_n3A_265 : i32
        %select_n3A_276 = arith.select %and3A_274, %add3A_275, %rem3A_266 : i32
        %dma_start3A_277 = arith.constant 1 : i32
        %dma_start3A_278 = arith.constant 0 : i32
        %dma_start3A_279 = tpu.memref_slice %arg7[%select_n3A_260, %dma_start3A_277, %select_n3A_276, %dma_start3A_278] : memref<3x2x10x100xi32, #tpu.memory_space<vmem>> -> memref<1x1x1x100xi32, #tpu.memory_space<vmem>>
        %dma_start3A_280 = tpu.memref_squeeze %dma_start3A_279 : memref<1x1x1x100xi32, #tpu.memory_space<vmem>> -> memref<100xi32, #tpu.memory_space<vmem>>
        %dma_start3A_281 = arith.constant 0 : i32
        %dma_start3A_282 = arith.constant 0 : i32
        %dma_start3A_283 = tpu.memref_slice %arg2[%dma_start3A_281, %dma_start3A_282] : memref<10000x144xf32, #tpu.memory_space<hbm>> -> memref<10000x144xf32, #tpu.memory_space<hbm>>
        tpu.enqueue_indirect_dma source(%dma_start3A_283 : memref<10000x144xf32, #tpu.memory_space<hbm>>) target(%arg9 : memref<100x144xf32, #tpu.memory_space<vmem>>) offsets(%dma_start3A_280 : memref<100xi32, #tpu.memory_space<vmem>>) semaphore(%arg12 : memref<!tpu.dma_semaphore, #tpu.memory_space<semaphore_mem>>)
        %sub3A_284 = arith.constant 1 : i32
        %sub3A_285 = arith.subi %add3A_215, %sub3A_284 : i32
        %ge3A_286 = arith.constant 0 : i32
        %ge3A_287 = arith.cmpi sge, %sub3A_285, %ge3A_286 : i32
        %convert_element_type3A_288 = arith.extui %ge3A_287 : i1 to i32
        %cond3A_289 = arith.constant 0 : i32
        %cond3A_290 = arith.cmpi ne, %convert_element_type3A_288, %cond3A_289 : i32
        scf.if %cond3A_290 {
          %dma_wait3A_291 = arith.constant 0 : i32
          %dma_wait3A_292 = arith.constant 0 : i32
          %dma_wait3A_293 = tpu.memref_slice %arg3[%dma_wait3A_291, %dma_wait3A_292] : memref<10240x144xf32, #tpu.memory_space<hbm>> -> memref<100x144xf32, #tpu.memory_space<hbm>>
          %dma_wait3A_294 = arith.constant 0 : i32
          %dma_wait3A_295 = arith.constant 0 : i32
          %dma_wait3A_296 = tpu.memref_slice %arg3[%dma_wait3A_294, %dma_wait3A_295] : memref<10240x144xf32, #tpu.memory_space<hbm>> -> memref<100x144xf32, #tpu.memory_space<hbm>>
          tpu.wait_dma2 semaphore(%arg11 : memref<!tpu.dma_semaphore, #tpu.memory_space<semaphore_mem>>) src(%dma_wait3A_296 : memref<100x144xf32, #tpu.memory_space<hbm>>) dst(%arg8 : memref<100x144xf32, #tpu.memory_space<vmem>>)
          %jit3A_297 = arith.constant 10 : i32
          %div3A_298 = arith.divsi %sub3A_285, %jit3A_297 : i32
          %sign3A_299 = arith.constant 0 : i32
          %sign3A_300 = arith.cmpi sgt, %sub3A_285, %sign3A_299 : i32
          %sign3A_301 = arith.extui %sign3A_300 : i1 to i32
          %sign3A_302 = arith.constant 0 : i32
          %sign3A_303 = arith.cmpi slt, %sub3A_285, %sign3A_302 : i32
          %sign3A_304 = arith.extui %sign3A_303 : i1 to i32
          %sign3A_305 = arith.subi %sign3A_301, %sign3A_304 : i32
          %sign3A_306 = arith.constant 0 : i32
          %sign3A_307 = arith.cmpi sgt, %jit3A_297, %sign3A_306 : i32
          %sign3A_308 = arith.extui %sign3A_307 : i1 to i32
          %sign3A_309 = arith.constant 0 : i32
          %sign3A_310 = arith.cmpi slt, %jit3A_297, %sign3A_309 : i32
          %sign3A_311 = arith.extui %sign3A_310 : i1 to i32
          %sign3A_312 = arith.subi %sign3A_308, %sign3A_311 : i32
          %ne3A_313 = arith.cmpi ne, %sign3A_305, %sign3A_312 : i32
          %rem3A_314 = arith.remsi %sub3A_285, %jit3A_297 : i32
          %ne3A_315 = arith.constant 0 : i32
          %ne3A_316 = arith.cmpi ne, %rem3A_314, %ne3A_315 : i32
          %and3A_317 = arith.andi %ne3A_313, %ne3A_316 : i1
          %sub3A_318 = arith.constant 1 : i32
          %sub3A_319 = arith.subi %div3A_298, %sub3A_318 : i32
          %select_n3A_320 = arith.select %and3A_317, %sub3A_319, %div3A_298 : i32
          %jit3A_321 = arith.constant 3 : i32
          %eq3A_322 = arith.constant 0 : i32
          %eq3A_323 = arith.cmpi eq, %jit3A_321, %eq3A_322 : i32
          %jit3A_324 = arith.constant 1 : i32
          %select_n3A_325 = arith.select %eq3A_323, %jit3A_324, %jit3A_321 : i32
          %rem3A_326 = arith.remsi %select_n3A_320, %select_n3A_325 : i32
          %ne3A_327 = arith.constant 0 : i32
          %ne3A_328 = arith.cmpi ne, %rem3A_326, %ne3A_327 : i32
          %lt3A_329 = arith.constant 0 : i32
          %lt3A_330 = arith.cmpi slt, %rem3A_326, %lt3A_329 : i32
          %lt3A_331 = arith.constant 0 : i32
          %lt3A_332 = arith.cmpi slt, %select_n3A_325, %lt3A_331 : i32
          %ne3A_333 = arith.xori %lt3A_330, %lt3A_332 : i1
          %and3A_334 = arith.andi %ne3A_333, %ne3A_328 : i1
          %add3A_335 = arith.addi %rem3A_326, %select_n3A_325 : i32
          %select_n3A_336 = arith.select %and3A_334, %add3A_335, %rem3A_326 : i32
          %jit3A_337 = arith.constant 10 : i32
          %eq3A_338 = arith.constant 0 : i32
          %eq3A_339 = arith.cmpi eq, %jit3A_337, %eq3A_338 : i32
          %jit3A_340 = arith.constant 1 : i32
          %select_n3A_341 = arith.select %eq3A_339, %jit3A_340, %jit3A_337 : i32
          %rem3A_342 = arith.remsi %sub3A_285, %select_n3A_341 : i32
          %ne3A_343 = arith.constant 0 : i32
          %ne3A_344 = arith.cmpi ne, %rem3A_342, %ne3A_343 : i32
          %lt3A_345 = arith.constant 0 : i32
          %lt3A_346 = arith.cmpi slt, %rem3A_342, %lt3A_345 : i32
          %lt3A_347 = arith.constant 0 : i32
          %lt3A_348 = arith.cmpi slt, %select_n3A_341, %lt3A_347 : i32
          %ne3A_349 = arith.xori %lt3A_346, %lt3A_348 : i1
          %and3A_350 = arith.andi %ne3A_349, %ne3A_344 : i1
          %add3A_351 = arith.addi %rem3A_342, %select_n3A_341 : i32
          %select_n3A_352 = arith.select %and3A_350, %add3A_351, %rem3A_342 : i32
          %dma_start3A_353 = arith.constant 0 : i32
          %dma_start3A_354 = arith.constant 0 : i32
          %dma_start3A_355 = tpu.memref_slice %arg7[%select_n3A_336, %dma_start3A_353, %select_n3A_352, %dma_start3A_354] : memref<3x2x10x100xi32, #tpu.memory_space<vmem>> -> memref<1x1x1x100xi32, #tpu.memory_space<vmem>>
          %dma_start3A_356 = tpu.memref_squeeze %dma_start3A_355 : memref<1x1x1x100xi32, #tpu.memory_space<vmem>> -> memref<100xi32, #tpu.memory_space<vmem>>
          %dma_start3A_357 = arith.constant 0 : i32
          %dma_start3A_358 = arith.constant 0 : i32
          %dma_start3A_359 = tpu.memref_slice %arg10[%dma_start3A_357, %dma_start3A_358] : memref<10240x144xf32, #tpu.memory_space<vmem_shared>> -> memref<10240x144xf32, #tpu.memory_space<vmem_shared>>
          tpu.enqueue_indirect_dma source(%arg8 : memref<100x144xf32, #tpu.memory_space<vmem>>) target(%dma_start3A_359 : memref<10240x144xf32, #tpu.memory_space<vmem_shared>>) offsets(%dma_start3A_356 : memref<100xi32, #tpu.memory_space<vmem>>) semaphore(%arg11 : memref<!tpu.dma_semaphore, #tpu.memory_space<semaphore_mem>>) {add = true}
        } else {
        }
      }
      %scan3A_135 = arith.constant 5 : i32
    }
    %scan3A_48 = arith.constant 10 : i32
    %dma_wait3A = arith.constant 0 : i32
    %dma_wait3A_49 = arith.constant 0 : i32
    %dma_wait3A_50 = tpu.memref_slice %arg3[%dma_wait3A, %dma_wait3A_49] : memref<10240x144xf32, #tpu.memory_space<hbm>> -> memref<100x144xf32, #tpu.memory_space<hbm>>
    %dma_wait3A_51 = arith.constant 0 : i32
    %dma_wait3A_52 = arith.constant 0 : i32
    %dma_wait3A_53 = tpu.memref_slice %arg3[%dma_wait3A_51, %dma_wait3A_52] : memref<10240x144xf32, #tpu.memory_space<hbm>> -> memref<100x144xf32, #tpu.memory_space<hbm>>
    tpu.wait_dma2 semaphore(%arg12 : memref<!tpu.dma_semaphore, #tpu.memory_space<semaphore_mem>>) src(%dma_wait3A_53 : memref<100x144xf32, #tpu.memory_space<hbm>>) dst(%arg9 : memref<100x144xf32, #tpu.memory_space<vmem>>)
    %dma_start3A_54 = arith.constant 0 : i32
    %dma_start3A_55 = arith.constant 0 : i32
    %dma_start3A_56 = arith.constant 9 : i32
    %dma_start3A_57 = arith.constant 0 : i32
    %dma_start3A_58 = tpu.memref_slice %arg7[%dma_start3A_54, %dma_start3A_55, %dma_start3A_56, %dma_start3A_57] : memref<3x2x10x100xi32, #tpu.memory_space<vmem>> -> memref<1x1x1x100xi32, #tpu.memory_space<vmem>>
    %dma_start3A_59 = tpu.memref_squeeze %dma_start3A_58 : memref<1x1x1x100xi32, #tpu.memory_space<vmem>> -> memref<100xi32, #tpu.memory_space<vmem>>
    %dma_start3A_60 = arith.constant 0 : i32
    %dma_start3A_61 = arith.constant 0 : i32
    %dma_start3A_62 = tpu.memref_slice %arg10[%dma_start3A_60, %dma_start3A_61] : memref<10240x144xf32, #tpu.memory_space<vmem_shared>> -> memref<10240x144xf32, #tpu.memory_space<vmem_shared>>
    tpu.enqueue_indirect_dma source(%arg9 : memref<100x144xf32, #tpu.memory_space<vmem>>) target(%dma_start3A_62 : memref<10240x144xf32, #tpu.memory_space<vmem_shared>>) offsets(%dma_start3A_59 : memref<100xi32, #tpu.memory_space<vmem>>) semaphore(%arg12 : memref<!tpu.dma_semaphore, #tpu.memory_space<semaphore_mem>>) {add = true}
    %dma_wait3A_63 = arith.constant 0 : i32
    %dma_wait3A_64 = arith.constant 0 : i32
    %dma_wait3A_65 = tpu.memref_slice %arg3[%dma_wait3A_63, %dma_wait3A_64] : memref<10240x144xf32, #tpu.memory_space<hbm>> -> memref<100x144xf32, #tpu.memory_space<hbm>>
    %dma_wait3A_66 = arith.constant 0 : i32
    %dma_wait3A_67 = arith.constant 0 : i32
    %dma_wait3A_68 = tpu.memref_slice %arg3[%dma_wait3A_66, %dma_wait3A_67] : memref<10240x144xf32, #tpu.memory_space<hbm>> -> memref<100x144xf32, #tpu.memory_space<hbm>>
    tpu.wait_dma2 semaphore(%arg11 : memref<!tpu.dma_semaphore, #tpu.memory_space<semaphore_mem>>) src(%dma_wait3A_68 : memref<100x144xf32, #tpu.memory_space<hbm>>) dst(%arg8 : memref<100x144xf32, #tpu.memory_space<vmem>>)
    %dma_wait3A_69 = arith.constant 0 : i32
    %dma_wait3A_70 = arith.constant 0 : i32
    %dma_wait3A_71 = tpu.memref_slice %arg3[%dma_wait3A_69, %dma_wait3A_70] : memref<10240x144xf32, #tpu.memory_space<hbm>> -> memref<100x144xf32, #tpu.memory_space<hbm>>
    %dma_wait3A_72 = arith.constant 0 : i32
    %dma_wait3A_73 = arith.constant 0 : i32
    %dma_wait3A_74 = tpu.memref_slice %arg3[%dma_wait3A_72, %dma_wait3A_73] : memref<10240x144xf32, #tpu.memory_space<hbm>> -> memref<100x144xf32, #tpu.memory_space<hbm>>
    tpu.wait_dma2 semaphore(%arg12 : memref<!tpu.dma_semaphore, #tpu.memory_space<semaphore_mem>>) src(%dma_wait3A_74 : memref<100x144xf32, #tpu.memory_space<hbm>>) dst(%arg9 : memref<100x144xf32, #tpu.memory_space<vmem>>)
    %barrier3A_75 = arith.constant 0 : index
    tpu.barrier barrier_id(%barrier3A_75)
    %mul3A_76 = arith.constant 640 : i32
    %mul3A_77 = arith.muli %arg1, %mul3A_76 : i32
    %mul3A_78 = arith.constant 640 : i32
    %mul3A_79 = arith.muli %arg1, %mul3A_78 : i32
    "tpu.region"() ({
      %run_scoped3A = tpu.sem_alloc : memref<!tpu.dma_semaphore, #tpu.memory_space<semaphore_mem>>
      %dma_start3A_84 = arith.constant 0 : i32
      %dma_start3A_85 = tpu.memref_slice %arg5[%arg0, %mul3A_79, %dma_start3A_84] : memref<2x10240x128xf32, #tpu.memory_space<hbm>> -> memref<1x640x128xf32, #tpu.memory_space<hbm>>
      %dma_start3A_86 = tpu.memref_squeeze %dma_start3A_85 : memref<1x640x128xf32, #tpu.memory_space<hbm>> -> memref<640x128xf32, #tpu.memory_space<hbm>>
      %dma_start3A_87 = arith.constant 0 : i32
      %dma_start3A_88 = tpu.memref_slice %arg10[%mul3A_77, %dma_start3A_87] : memref<10240x144xf32, #tpu.memory_space<vmem_shared>> -> memref<640x128xf32, #tpu.memory_space<vmem_shared>>
      tpu.enqueue_dma source(%dma_start3A_88 : memref<640x128xf32, #tpu.memory_space<vmem_shared>>) target(%dma_start3A_86 : memref<640x128xf32, #tpu.memory_space<hbm>>) target_semaphore(%run_scoped3A : memref<!tpu.dma_semaphore, #tpu.memory_space<semaphore_mem>>)
      %dma_wait3A_89 = arith.constant 0 : i32
      %dma_wait3A_90 = tpu.memref_slice %arg5[%arg0, %mul3A_79, %dma_wait3A_89] : memref<2x10240x128xf32, #tpu.memory_space<hbm>> -> memref<1x640x128xf32, #tpu.memory_space<hbm>>
      %dma_wait3A_91 = tpu.memref_squeeze %dma_wait3A_90 : memref<1x640x128xf32, #tpu.memory_space<hbm>> -> memref<640x128xf32, #tpu.memory_space<hbm>>
      %dma_wait3A_92 = arith.constant 0 : i32
      %dma_wait3A_93 = tpu.memref_slice %arg10[%mul3A_77, %dma_wait3A_92] : memref<10240x144xf32, #tpu.memory_space<vmem_shared>> -> memref<640x128xf32, #tpu.memory_space<vmem_shared>>
      tpu.wait_dma2 semaphore(%run_scoped3A : memref<!tpu.dma_semaphore, #tpu.memory_space<semaphore_mem>>) src(%dma_wait3A_93 : memref<640x128xf32, #tpu.memory_space<vmem_shared>>) dst(%dma_wait3A_91 : memref<640x128xf32, #tpu.memory_space<hbm>>)
      tpu.yield
    }) : () -> ()
    %mul3A_80 = arith.constant 640 : i32
    %mul3A_81 = arith.muli %arg1, %mul3A_80 : i32
    %mul3A_82 = arith.constant 640 : i32
    %mul3A_83 = arith.muli %arg1, %mul3A_82 : i32
    "tpu.region"() ({
      %run_scoped3A = tpu.sem_alloc : memref<!tpu.dma_semaphore, #tpu.memory_space<semaphore_mem>>
      %dma_start3A_84 = arith.constant 0 : i32
      %dma_start3A_85 = tpu.memref_slice %arg6[%arg0, %mul3A_83, %dma_start3A_84] : memref<2x10240x16xf32, #tpu.memory_space<hbm>> -> memref<1x640x16xf32, #tpu.memory_space<hbm>>
      %dma_start3A_86 = tpu.memref_squeeze %dma_start3A_85 : memref<1x640x16xf32, #tpu.memory_space<hbm>> -> memref<640x16xf32, #tpu.memory_space<hbm>>
      %dma_start3A_87 = arith.constant 128 : i32
      %dma_start3A_88 = tpu.memref_slice %arg10[%mul3A_81, %dma_start3A_87] : memref<10240x144xf32, #tpu.memory_space<vmem_shared>> -> memref<640x16xf32, #tpu.memory_space<vmem_shared>>
      tpu.enqueue_dma source(%dma_start3A_88 : memref<640x16xf32, #tpu.memory_space<vmem_shared>>) target(%dma_start3A_86 : memref<640x16xf32, #tpu.memory_space<hbm>>) target_semaphore(%run_scoped3A : memref<!tpu.dma_semaphore, #tpu.memory_space<semaphore_mem>>)
      %dma_wait3A_89 = arith.constant 0 : i32
      %dma_wait3A_90 = tpu.memref_slice %arg6[%arg0, %mul3A_83, %dma_wait3A_89] : memref<2x10240x16xf32, #tpu.memory_space<hbm>> -> memref<1x640x16xf32, #tpu.memory_space<hbm>>
      %dma_wait3A_91 = tpu.memref_squeeze %dma_wait3A_90 : memref<1x640x16xf32, #tpu.memory_space<hbm>> -> memref<640x16xf32, #tpu.memory_space<hbm>>
      %dma_wait3A_92 = arith.constant 128 : i32
      %dma_wait3A_93 = tpu.memref_slice %arg10[%mul3A_81, %dma_wait3A_92] : memref<10240x144xf32, #tpu.memory_space<vmem_shared>> -> memref<640x16xf32, #tpu.memory_space<vmem_shared>>
      tpu.wait_dma2 semaphore(%run_scoped3A : memref<!tpu.dma_semaphore, #tpu.memory_space<semaphore_mem>>) src(%dma_wait3A_93 : memref<640x16xf32, #tpu.memory_space<vmem_shared>>) dst(%dma_wait3A_91 : memref<640x16xf32, #tpu.memory_space<hbm>>)
      tpu.yield
    }) : () -> ()
    return
  }
}

module attributes {stable_mosaic.version = 14 : i64} {
  func.func @_builder_body(%arg0: i32, %arg1: memref<1000x128xf32, #tpu.memory_space<vmem>>, %arg2: memref<1000x3xf32, #tpu.memory_space<vmem>>, %arg3: memref<128x128xf32, #tpu.memory_space<vmem>>, %arg4: memref<128x128xf32, #tpu.memory_space<vmem>>, %arg5: memref<3x128xf32, #tpu.memory_space<vmem>>, %arg6: memref<32x128xf32, #tpu.memory_space<vmem>>, %arg7: memref<128x128xf32, #tpu.memory_space<vmem>>, %arg8: memref<128x128xf32, #tpu.memory_space<vmem>>, %arg9: memref<1x128xf32, #tpu.memory_space<vmem>>, %arg10: memref<1000x144xf32, #tpu.memory_space<vmem>>, %arg11: memref<1000x16xf32, #tpu.memory_space<vmem>>, %arg12: memref<432x128xf32, #tpu.memory_space<vmem>>, %arg13: memref<1x128xf32, #tpu.memory_space<vmem>>) attributes {dimension_semantics = [#tpu.dimension_semantics<arbitrary>], iteration_bounds = array<i64: 10>, scalar_prefetch = 0 : i64, scratch_operands = 0 : i64, tpu.core_type = #tpu.core_type<tc>, window_params = [{transform_indices = @transform_0, window_bounds = array<i64: 1000, 128>}, {transform_indices = @transform_1, window_bounds = array<i64: 1000, 3>}, {pipeline_mode = #tpu.pipeline_mode<synchronous>, transform_indices = @transform_2, window_bounds = array<i64: 128, 128>}, {pipeline_mode = #tpu.pipeline_mode<synchronous>, transform_indices = @transform_3, window_bounds = array<i64: 128, 128>}, {pipeline_mode = #tpu.pipeline_mode<synchronous>, transform_indices = @transform_4, window_bounds = array<i64: 3, 128>}, {pipeline_mode = #tpu.pipeline_mode<synchronous>, transform_indices = @transform_5, window_bounds = array<i64: 32, 128>}, {pipeline_mode = #tpu.pipeline_mode<synchronous>, transform_indices = @transform_6, window_bounds = array<i64: 128, 128>}, {pipeline_mode = #tpu.pipeline_mode<synchronous>, transform_indices = @transform_7, window_bounds = array<i64: 128, 128>}, {pipeline_mode = #tpu.pipeline_mode<synchronous>, transform_indices = @transform_8, window_bounds = array<i64: 1, 128>}, {transform_indices = @transform_9, window_bounds = array<i64: 1000, 144>}, {transform_indices = @transform_10, window_bounds = array<i64: 1000, 16>}, {pipeline_mode = #tpu.pipeline_mode<synchronous>, transform_indices = @transform_11, window_bounds = array<i64: 432, 128>}, {pipeline_mode = #tpu.pipeline_mode<synchronous>, transform_indices = @transform_12, window_bounds = array<i64: 1, 128>}]} {
    %get3A = arith.constant 0 : index
    %get3A_0 = arith.constant 0 : index
    %get3A_1 = vector.load %arg1[%get3A, %get3A_0] : memref<1000x128xf32, #tpu.memory_space<vmem>>, vector<1000x128xf32>
    %swap3A = arith.constant 0 : index
    %swap3A_2 = arith.constant 0 : index
    %swap3A_3 = vector.load %arg10[%swap3A, %swap3A_2] : memref<1000x144xf32, #tpu.memory_space<vmem>>, vector<1000x128xf32>
    tpu.vector_store %arg10[%swap3A, %swap3A_2], %get3A_1 {strides = array<i32>} : memref<1000x144xf32, #tpu.memory_space<vmem>>, vector<1000x128xf32>,
    %get3A_4 = arith.constant 0 : index
    %get3A_5 = arith.constant 0 : index
    %get3A_6 = vector.load %arg2[%get3A_4, %get3A_5] : memref<1000x3xf32, #tpu.memory_space<vmem>>, vector<1000x3xf32>
    %broadcast_in_dim3A = arith.constant 1.000000e+00 : f32
    %broadcast_in_dim3A_7 = vector.broadcast %broadcast_in_dim3A : f32 to vector<1000x1xf32>
    %broadcast_in_dim3A_8 = arith.constant 0.000000e+00 : f32
    %broadcast_in_dim3A_9 = vector.broadcast %broadcast_in_dim3A_8 : f32 to vector<1000x12xf32>
    %concatenate3A = tpu.concatenate %get3A_6, %broadcast_in_dim3A_7, %broadcast_in_dim3A_9 in 1 : vector<1000x3xf32>, vector<1000x1xf32>, vector<1000x12xf32> -> vector<1000x16xf32>
    %swap3A_10 = arith.constant 0 : index
    %swap3A_11 = arith.constant 128 : index
    %swap3A_12 = vector.load %arg10[%swap3A_10, %swap3A_11] : memref<1000x144xf32, #tpu.memory_space<vmem>>, vector<1000x16xf32>
    tpu.vector_store %arg10[%swap3A_10, %swap3A_11], %concatenate3A {strides = array<i32>} : memref<1000x144xf32, #tpu.memory_space<vmem>>, vector<1000x16xf32>,
    %swap3A_13 = arith.constant 0 : index
    %swap3A_14 = arith.constant 0 : index
    %swap3A_15 = vector.load %arg11[%swap3A_13, %swap3A_14] : memref<1000x16xf32, #tpu.memory_space<vmem>>, vector<1000x16xf32>
    tpu.vector_store %arg11[%swap3A_13, %swap3A_14], %concatenate3A {strides = array<i32>} : memref<1000x16xf32, #tpu.memory_space<vmem>>, vector<1000x16xf32>,
    %eq3A = arith.constant 0 : i32
    %eq3A_16 = arith.cmpi eq, %arg0, %eq3A : i32
    %convert_element_type3A = arith.extui %eq3A_16 : i1 to i32
    %cond3A = arith.constant 0 : i32
    %cond3A_17 = arith.cmpi ne, %convert_element_type3A, %cond3A : i32
    scf.if %cond3A_17 {
      %get3A_18 = arith.constant 0 : index
      %get3A_19 = arith.constant 0 : index
      %get3A_20 = vector.load %arg8[%get3A_18, %get3A_19] : memref<128x128xf32, #tpu.memory_space<vmem>>, vector<128x128xf32>
      %get3A_21 = arith.constant 0 : index
      %get3A_22 = arith.constant 0 : index
      %get3A_23 = vector.load %arg3[%get3A_21, %get3A_22] : memref<128x128xf32, #tpu.memory_space<vmem>>, vector<128x128xf32>
      %get3A_24 = arith.constant 0 : index
      %get3A_25 = arith.constant 0 : index
      %get3A_26 = vector.load %arg4[%get3A_24, %get3A_25] : memref<128x128xf32, #tpu.memory_space<vmem>>, vector<128x128xf32>
      %sub3A = arith.subf %get3A_23, %get3A_26 : vector<128x128xf32>
      %dot_general3A = arith.constant dense<0.000000e+00> : vector<128x128xf32>
      %dot_general3A_27 = tpu.matmul %sub3A, %get3A_20, %dot_general3A {dimension_numbers = #tpu.dot_dimension_numbers<[1], [0], [0], [1], [0, 0, 1, 1], [], []>, precision = #tpu.contract_precision<fp32>, transpose_lhs_hint = false} : vector<128x128xf32>, vector<128x128xf32>, vector<128x128xf32> -> vector<128x128xf32>
      %swap3A_28 = arith.constant 0 : index
      %swap3A_29 = arith.constant 0 : index
      %swap3A_30 = vector.load %arg12[%swap3A_28, %swap3A_29] : memref<432x128xf32, #tpu.memory_space<vmem>>, vector<128x128xf32>
      tpu.vector_store %arg12[%swap3A_28, %swap3A_29], %dot_general3A_27 {strides = array<i32>} : memref<432x128xf32, #tpu.memory_space<vmem>>, vector<128x128xf32>,
      %get3A_31 = arith.constant 0 : index
      %get3A_32 = arith.constant 0 : index
      %get3A_33 = vector.load %arg6[%get3A_31, %get3A_32] : memref<32x128xf32, #tpu.memory_space<vmem>>, vector<32x128xf32>
      %dot_general3A_34 = arith.constant dense<0.000000e+00> : vector<32x128xf32>
      %dot_general3A_35 = tpu.matmul %get3A_33, %get3A_20, %dot_general3A_34 {dimension_numbers = #tpu.dot_dimension_numbers<[1], [0], [0], [1], [0, 0, 1, 1], [], []>, precision = #tpu.contract_precision<fp32>, transpose_lhs_hint = false} : vector<32x128xf32>, vector<128x128xf32>, vector<32x128xf32> -> vector<32x128xf32>
      %swap3A_36 = arith.constant 128 : index
      %swap3A_37 = arith.constant 0 : index
      %swap3A_38 = vector.load %arg12[%swap3A_36, %swap3A_37] : memref<432x128xf32, #tpu.memory_space<vmem>>, vector<32x128xf32>
      tpu.vector_store %arg12[%swap3A_36, %swap3A_37], %dot_general3A_35 {strides = array<i32>} : memref<432x128xf32, #tpu.memory_space<vmem>>, vector<32x128xf32>,
      %get3A_39 = arith.constant 0 : index
      %get3A_40 = arith.constant 0 : index
      %get3A_41 = vector.load %arg4[%get3A_39, %get3A_40] : memref<128x128xf32, #tpu.memory_space<vmem>>, vector<128x128xf32>
      %dot_general3A_42 = arith.constant dense<0.000000e+00> : vector<128x128xf32>
      %dot_general3A_43 = tpu.matmul %get3A_41, %get3A_20, %dot_general3A_42 {dimension_numbers = #tpu.dot_dimension_numbers<[1], [0], [0], [1], [0, 0, 1, 1], [], []>, precision = #tpu.contract_precision<fp32>, transpose_lhs_hint = false} : vector<128x128xf32>, vector<128x128xf32>, vector<128x128xf32> -> vector<128x128xf32>
      %swap3A_44 = arith.constant 160 : index
      %swap3A_45 = arith.constant 0 : index
      %swap3A_46 = vector.load %arg12[%swap3A_44, %swap3A_45] : memref<432x128xf32, #tpu.memory_space<vmem>>, vector<128x128xf32>
      tpu.vector_store %arg12[%swap3A_44, %swap3A_45], %dot_general3A_43 {strides = array<i32>} : memref<432x128xf32, #tpu.memory_space<vmem>>, vector<128x128xf32>,
      %get3A_47 = arith.constant 0 : index
      %get3A_48 = arith.constant 0 : index
      %get3A_49 = vector.load %arg5[%get3A_47, %get3A_48] : memref<3x128xf32, #tpu.memory_space<vmem>>, vector<3x128xf32>
      %broadcast_in_dim3A_50 = arith.constant 0.000000e+00 : f32
      %broadcast_in_dim3A_51 = vector.broadcast %broadcast_in_dim3A_50 : f32 to vector<13x128xf32>
      %concatenate3A_52 = tpu.concatenate %get3A_49, %broadcast_in_dim3A_51 in 0 : vector<3x128xf32>, vector<13x128xf32> -> vector<16x128xf32>
      %dot_general3A_53 = arith.constant dense<0.000000e+00> : vector<16x128xf32>
      %dot_general3A_54 = tpu.matmul %concatenate3A_52, %get3A_20, %dot_general3A_53 {dimension_numbers = #tpu.dot_dimension_numbers<[1], [0], [0], [1], [0, 0, 1, 1], [], []>, precision = #tpu.contract_precision<fp32>, transpose_lhs_hint = false} : vector<16x128xf32>, vector<128x128xf32>, vector<16x128xf32> -> vector<16x128xf32>
      %swap3A_55 = arith.constant 288 : index
      %swap3A_56 = arith.constant 0 : index
      %swap3A_57 = vector.load %arg12[%swap3A_55, %swap3A_56] : memref<432x128xf32, #tpu.memory_space<vmem>>, vector<16x128xf32>
      tpu.vector_store %arg12[%swap3A_55, %swap3A_56], %dot_general3A_54 {strides = array<i32>} : memref<432x128xf32, #tpu.memory_space<vmem>>, vector<16x128xf32>,
      %get3A_58 = arith.constant 0 : index
      %get3A_59 = arith.constant 0 : index
      %get3A_60 = vector.load %arg7[%get3A_58, %get3A_59] : memref<128x128xf32, #tpu.memory_space<vmem>>, vector<128x128xf32>
      %swap3A_61 = arith.constant 304 : index
      %swap3A_62 = arith.constant 0 : index
      %swap3A_63 = vector.load %arg12[%swap3A_61, %swap3A_62] : memref<432x128xf32, #tpu.memory_space<vmem>>, vector<128x128xf32>
      tpu.vector_store %arg12[%swap3A_61, %swap3A_62], %get3A_60 {strides = array<i32>} : memref<432x128xf32, #tpu.memory_space<vmem>>, vector<128x128xf32>,
      %get3A_64 = arith.constant 0 : index
      %get3A_65 = arith.constant 0 : index
      %get3A_66 = vector.load %arg9[%get3A_64, %get3A_65] : memref<1x128xf32, #tpu.memory_space<vmem>>, vector<1x128xf32>
      %dot_general3A_67 = arith.constant dense<0.000000e+00> : vector<1x128xf32>
      %dot_general3A_68 = tpu.matmul %get3A_66, %get3A_20, %dot_general3A_67 {dimension_numbers = #tpu.dot_dimension_numbers<[1], [0], [0], [1], [0, 0, 1, 1], [], []>, precision = #tpu.contract_precision<fp32>, transpose_lhs_hint = false} : vector<1x128xf32>, vector<128x128xf32>, vector<1x128xf32> -> vector<1x128xf32>
      %swap3A_69 = arith.constant 0 : index
      %swap3A_70 = arith.constant 0 : index
      %swap3A_71 = vector.load %arg13[%swap3A_69, %swap3A_70] : memref<1x128xf32, #tpu.memory_space<vmem>>, vector<1x128xf32>
      tpu.vector_store %arg13[%swap3A_69, %swap3A_70], %dot_general3A_68 {strides = array<i32>} : memref<1x128xf32, #tpu.memory_space<vmem>>, vector<1x128xf32>,
    } else {
    }
    return
  }
  func.func @transform_0(%arg0: i32) -> (i32, i32) {
    %c0_i32 = arith.constant 0 : i32
    %c0_i32_0 = arith.constant 0 : i32
    return %arg0, %c0_i32 : i32, i32
  }
  func.func @transform_1(%arg0: i32) -> (i32, i32) {
    %c0_i32 = arith.constant 0 : i32
    %c0_i32_0 = arith.constant 0 : i32
    return %arg0, %c0_i32 : i32, i32
  }
  func.func @transform_2(%arg0: i32) -> (i32, i32) {
    %c0_i32 = arith.constant 0 : i32
    %c0_i32_0 = arith.constant 0 : i32
    %c0_i32_1 = arith.constant 0 : i32
    return %c0_i32, %c0_i32_0 : i32, i32
  }
  func.func @transform_3(%arg0: i32) -> (i32, i32) {
    %c0_i32 = arith.constant 0 : i32
    %c0_i32_0 = arith.constant 0 : i32
    %c0_i32_1 = arith.constant 0 : i32
    return %c0_i32, %c0_i32_0 : i32, i32
  }
  func.func @transform_4(%arg0: i32) -> (i32, i32) {
    %c0_i32 = arith.constant 0 : i32
    %c0_i32_0 = arith.constant 0 : i32
    %c0_i32_1 = arith.constant 0 : i32
    return %c0_i32, %c0_i32_0 : i32, i32
  }
  func.func @transform_5(%arg0: i32) -> (i32, i32) {
    %c0_i32 = arith.constant 0 : i32
    %c0_i32_0 = arith.constant 0 : i32
    %c0_i32_1 = arith.constant 0 : i32
    return %c0_i32, %c0_i32_0 : i32, i32
  }
  func.func @transform_6(%arg0: i32) -> (i32, i32) {
    %c0_i32 = arith.constant 0 : i32
    %c0_i32_0 = arith.constant 0 : i32
    %c0_i32_1 = arith.constant 0 : i32
    return %c0_i32, %c0_i32_0 : i32, i32
  }
  func.func @transform_7(%arg0: i32) -> (i32, i32) {
    %c0_i32 = arith.constant 0 : i32
    %c0_i32_0 = arith.constant 0 : i32
    %c0_i32_1 = arith.constant 0 : i32
    return %c0_i32, %c0_i32_0 : i32, i32
  }
  func.func @transform_8(%arg0: i32) -> (i32, i32) {
    %c0_i32 = arith.constant 0 : i32
    %c0_i32_0 = arith.constant 0 : i32
    %c0_i32_1 = arith.constant 0 : i32
    return %c0_i32, %c0_i32_0 : i32, i32
  }
  func.func @transform_9(%arg0: i32) -> (i32, i32) {
    %c0_i32 = arith.constant 0 : i32
    %c0_i32_0 = arith.constant 0 : i32
    return %arg0, %c0_i32 : i32, i32
  }
  func.func @transform_10(%arg0: i32) -> (i32, i32) {
    %c0_i32 = arith.constant 0 : i32
    %c0_i32_0 = arith.constant 0 : i32
    return %arg0, %c0_i32 : i32, i32
  }
  func.func @transform_11(%arg0: i32) -> (i32, i32) {
    %c0_i32 = arith.constant 0 : i32
    %c0_i32_0 = arith.constant 0 : i32
    %c0_i32_1 = arith.constant 0 : i32
    return %c0_i32, %c0_i32_0 : i32, i32
  }
  func.func @transform_12(%arg0: i32) -> (i32, i32) {
    %c0_i32 = arith.constant 0 : i32
    %c0_i32_0 = arith.constant 0 : i32
    %c0_i32_1 = arith.constant 0 : i32
    return %c0_i32, %c0_i32_0 : i32, i32
  }
}

module attributes {stable_mosaic.version = 14 : i64} {
  func.func @_epilogue_body(%arg0: i32, %arg1: memref<2x1000x128xf32, #tpu.memory_space<vmem>>, %arg2: memref<2x1000x16xf32, #tpu.memory_space<vmem>>, %arg3: memref<1000x128xf32, #tpu.memory_space<vmem>>, %arg4: memref<1000x16xf32, #tpu.memory_space<vmem>>, %arg5: memref<16x32xf32, #tpu.memory_space<vmem>>, %arg6: memref<1x32xf32, #tpu.memory_space<vmem>>, %arg7: memref<32x32xf32, #tpu.memory_space<vmem>>, %arg8: memref<1x32xf32, #tpu.memory_space<vmem>>, %arg9: memref<432x128xf32, #tpu.memory_space<vmem>>, %arg10: memref<1x128xf32, #tpu.memory_space<vmem>>, %arg11: memref<1x128xf32, #tpu.memory_space<vmem>>, %arg12: memref<1000x128xf32, #tpu.memory_space<vmem>>) attributes {dimension_semantics = [#tpu.dimension_semantics<arbitrary>], iteration_bounds = array<i64: 10>, scalar_prefetch = 0 : i64, scratch_operands = 0 : i64, tpu.core_type = #tpu.core_type<tc>, window_params = [{transform_indices = @transform_0, window_bounds = array<i64: 2, 1000, 128>}, {transform_indices = @transform_1, window_bounds = array<i64: 2, 1000, 16>}, {transform_indices = @transform_2, window_bounds = array<i64: 1000, 128>}, {transform_indices = @transform_3, window_bounds = array<i64: 1000, 16>}, {pipeline_mode = #tpu.pipeline_mode<synchronous>, transform_indices = @transform_4, window_bounds = array<i64: 16, 32>}, {pipeline_mode = #tpu.pipeline_mode<synchronous>, transform_indices = @transform_5, window_bounds = array<i64: 1, 32>}, {pipeline_mode = #tpu.pipeline_mode<synchronous>, transform_indices = @transform_6, window_bounds = array<i64: 32, 32>}, {pipeline_mode = #tpu.pipeline_mode<synchronous>, transform_indices = @transform_7, window_bounds = array<i64: 1, 32>}, {pipeline_mode = #tpu.pipeline_mode<synchronous>, transform_indices = @transform_8, window_bounds = array<i64: 432, 128>}, {pipeline_mode = #tpu.pipeline_mode<synchronous>, transform_indices = @transform_9, window_bounds = array<i64: 1, 128>}, {pipeline_mode = #tpu.pipeline_mode<synchronous>, transform_indices = @transform_10, window_bounds = array<i64: 1, 128>}, {transform_indices = @transform_11, window_bounds = array<i64: 1000, 128>}]} {
    %get3A = arith.constant 0 : index
    %get3A_0 = arith.constant 0 : index
    %get3A_1 = arith.constant 0 : index
    %get3A_2 = vector.load %arg1[%get3A, %get3A_0, %get3A_1] : memref<2x1000x128xf32, #tpu.memory_space<vmem>>, vector<1x1000x128xf32>
    %get3A_3 = vector.shape_cast %get3A_2 : vector<1x1000x128xf32> to vector<1000x128xf32>
    %get3A_4 = arith.constant 1 : index
    %get3A_5 = arith.constant 0 : index
    %get3A_6 = arith.constant 0 : index
    %get3A_7 = vector.load %arg1[%get3A_4, %get3A_5, %get3A_6] : memref<2x1000x128xf32, #tpu.memory_space<vmem>>, vector<1x1000x128xf32>
    %get3A_8 = vector.shape_cast %get3A_7 : vector<1x1000x128xf32> to vector<1000x128xf32>
    %add3A = arith.addf %get3A_3, %get3A_8 : vector<1000x128xf32>
    %get3A_9 = arith.constant 0 : index
    %get3A_10 = arith.constant 0 : index
    %get3A_11 = arith.constant 0 : index
    %get3A_12 = vector.load %arg2[%get3A_9, %get3A_10, %get3A_11] : memref<2x1000x16xf32, #tpu.memory_space<vmem>>, vector<1x1000x16xf32>
    %get3A_13 = vector.shape_cast %get3A_12 : vector<1x1000x16xf32> to vector<1000x16xf32>
    %get3A_14 = arith.constant 1 : index
    %get3A_15 = arith.constant 0 : index
    %get3A_16 = arith.constant 0 : index
    %get3A_17 = vector.load %arg2[%get3A_14, %get3A_15, %get3A_16] : memref<2x1000x16xf32, #tpu.memory_space<vmem>>, vector<1x1000x16xf32>
    %get3A_18 = vector.shape_cast %get3A_17 : vector<1x1000x16xf32> to vector<1000x16xf32>
    %add3A_19 = arith.addf %get3A_13, %get3A_18 : vector<1000x16xf32>
    %slice3A = vector.extract_strided_slice %add3A_19 {offsets = [0, 3], sizes = [1000, 1], strides = [1, 1]} : vector<1000x16xf32> to vector<1000x1xf32>
    %gt3A = arith.constant 0.000000e+00 : f32
    %gt3A_20 = vector.broadcast %gt3A : f32 to vector<1000x1xf32>
    %gt3A_21 = arith.cmpf ogt, %slice3A, %gt3A_20 : vector<1000x1xf32>
    %convert_element_type3A = arith.extui %gt3A_21 : vector<1000x1xi1> to vector<1000x1xi32>
    %convert_element_type3A_22 = arith.sitofp %convert_element_type3A : vector<1000x1xi32> to vector<1000x1xf32>
    %max3A = arith.constant 1.000000e+00 : f32
    %max3A_23 = vector.broadcast %max3A : f32 to vector<1000x1xf32>
    %max3A_24 = arith.maximumf %slice3A, %max3A_23 : vector<1000x1xf32>
    %div3A = arith.constant 1.000000e+00 : f32
    %div3A_25 = vector.broadcast %div3A : f32 to vector<1000x1xf32>
    %div3A_26 = arith.divf %div3A_25, %max3A_24 : vector<1000x1xf32>
    %get3A_27 = arith.constant 0 : index
    %get3A_28 = arith.constant 0 : index
    %get3A_29 = vector.load %arg3[%get3A_27, %get3A_28] : memref<1000x128xf32, #tpu.memory_space<vmem>>, vector<1000x128xf32>
    %mul3A = vector.broadcast %div3A_26 : vector<1000x1xf32> to vector<1000x128xf32>
    %mul3A_30 = arith.mulf %add3A, %mul3A : vector<1000x128xf32>
    %mul3A_31 = vector.broadcast %div3A_26 : vector<1000x1xf32> to vector<1000x16xf32>
    %mul3A_32 = arith.mulf %add3A_19, %mul3A_31 : vector<1000x16xf32>
    %get3A_33 = arith.constant 0 : index
    %get3A_34 = arith.constant 0 : index
    %get3A_35 = vector.load %arg4[%get3A_33, %get3A_34] : memref<1000x16xf32, #tpu.memory_space<vmem>>, vector<1000x16xf32>
    %mul3A_36 = vector.broadcast %convert_element_type3A_22 : vector<1000x1xf32> to vector<1000x16xf32>
    %mul3A_37 = arith.mulf %mul3A_36, %get3A_35 : vector<1000x16xf32>
    %sub3A = arith.subf %mul3A_32, %mul3A_37 : vector<1000x16xf32>
    %get3A_38 = arith.constant 0 : index
    %get3A_39 = arith.constant 0 : index
    %get3A_40 = vector.load %arg5[%get3A_38, %get3A_39] : memref<16x32xf32, #tpu.memory_space<vmem>>, vector<16x32xf32>
    %dot_general3A = arith.constant dense<0.000000e+00> : vector<1000x32xf32>
    %dot_general3A_41 = tpu.matmul %sub3A, %get3A_40, %dot_general3A {dimension_numbers = #tpu.dot_dimension_numbers<[1], [0], [0], [1], [0, 0, 1, 1], [], []>, transpose_lhs_hint = false} : vector<1000x16xf32>, vector<16x32xf32>, vector<1000x32xf32> -> vector<1000x32xf32>
    %get3A_42 = arith.constant 0 : index
    %get3A_43 = arith.constant 0 : index
    %get3A_44 = vector.load %arg6[%get3A_42, %get3A_43] : memref<1x32xf32, #tpu.memory_space<vmem>>, vector<1x32xf32>
    %mul3A_45 = vector.broadcast %convert_element_type3A_22 : vector<1000x1xf32> to vector<1000x32xf32>
    %mul3A_46 = vector.broadcast %get3A_44 : vector<1x32xf32> to vector<1000x32xf32>
    %mul3A_47 = arith.mulf %mul3A_45, %mul3A_46 : vector<1000x32xf32>
    %add3A_48 = arith.addf %dot_general3A_41, %mul3A_47 : vector<1000x32xf32>
    %get3A_49 = arith.constant 0 : index
    %get3A_50 = arith.constant 0 : index
    %get3A_51 = vector.load %arg7[%get3A_49, %get3A_50] : memref<32x32xf32, #tpu.memory_space<vmem>>, vector<32x32xf32>
    %dot_general3A_52 = arith.constant dense<0.000000e+00> : vector<1000x32xf32>
    %dot_general3A_53 = tpu.matmul %add3A_48, %get3A_51, %dot_general3A_52 {dimension_numbers = #tpu.dot_dimension_numbers<[1], [0], [0], [1], [0, 0, 1, 1], [], []>, transpose_lhs_hint = false} : vector<1000x32xf32>, vector<32x32xf32>, vector<1000x32xf32> -> vector<1000x32xf32>
    %get3A_54 = arith.constant 0 : index
    %get3A_55 = arith.constant 0 : index
    %get3A_56 = vector.load %arg8[%get3A_54, %get3A_55] : memref<1x32xf32, #tpu.memory_space<vmem>>, vector<1x32xf32>
    %add3A_57 = vector.broadcast %get3A_56 : vector<1x32xf32> to vector<1000x32xf32>
    %add3A_58 = arith.addf %dot_general3A_53, %add3A_57 : vector<1000x32xf32>
    %mul3A_59 = vector.broadcast %convert_element_type3A_22 : vector<1000x1xf32> to vector<1000x128xf32>
    %mul3A_60 = arith.mulf %mul3A_59, %get3A_29 : vector<1000x128xf32>
    %mul3A_61 = vector.broadcast %convert_element_type3A_22 : vector<1000x1xf32> to vector<1000x32xf32>
    %mul3A_62 = arith.mulf %mul3A_61, %add3A_58 : vector<1000x32xf32>
    %concatenate3A = tpu.concatenate %mul3A_60, %mul3A_62, %mul3A_30, %sub3A, %get3A_29 in 1 : vector<1000x128xf32>, vector<1000x32xf32>, vector<1000x128xf32>, vector<1000x16xf32>, vector<1000x128xf32> -> vector<1000x432xf32>
    %get3A_63 = arith.constant 0 : index
    %get3A_64 = arith.constant 0 : index
    %get3A_65 = vector.load %arg9[%get3A_63, %get3A_64] : memref<432x128xf32, #tpu.memory_space<vmem>>, vector<432x128xf32>
    %dot_general3A_66 = arith.constant dense<0.000000e+00> : vector<1000x128xf32>
    %dot_general3A_67 = tpu.matmul %concatenate3A, %get3A_65, %dot_general3A_66 {dimension_numbers = #tpu.dot_dimension_numbers<[1], [0], [0], [1], [0, 0, 1, 1], [], []>, transpose_lhs_hint = false} : vector<1000x432xf32>, vector<432x128xf32>, vector<1000x128xf32> -> vector<1000x128xf32>
    %get3A_68 = arith.constant 0 : index
    %get3A_69 = arith.constant 0 : index
    %get3A_70 = vector.load %arg10[%get3A_68, %get3A_69] : memref<1x128xf32, #tpu.memory_space<vmem>>, vector<1x128xf32>
    %mul3A_71 = vector.broadcast %convert_element_type3A_22 : vector<1000x1xf32> to vector<1000x128xf32>
    %mul3A_72 = vector.broadcast %get3A_70 : vector<1x128xf32> to vector<1000x128xf32>
    %mul3A_73 = arith.mulf %mul3A_71, %mul3A_72 : vector<1000x128xf32>
    %add3A_74 = arith.addf %dot_general3A_67, %mul3A_73 : vector<1000x128xf32>
    %get3A_75 = arith.constant 0 : index
    %get3A_76 = arith.constant 0 : index
    %get3A_77 = vector.load %arg11[%get3A_75, %get3A_76] : memref<1x128xf32, #tpu.memory_space<vmem>>, vector<1x128xf32>
    %add3A_78 = vector.broadcast %get3A_77 : vector<1x128xf32> to vector<1000x128xf32>
    %add3A_79 = arith.addf %add3A_74, %add3A_78 : vector<1000x128xf32>
    %swap3A = arith.constant 0 : index
    %swap3A_80 = arith.constant 0 : index
    %swap3A_81 = vector.load %arg12[%swap3A, %swap3A_80] : memref<1000x128xf32, #tpu.memory_space<vmem>>, vector<1000x128xf32>
    tpu.vector_store %arg12[%swap3A, %swap3A_80], %add3A_79 {strides = array<i32>} : memref<1000x128xf32, #tpu.memory_space<vmem>>, vector<1000x128xf32>,
    return
  }
  func.func @transform_0(%arg0: i32) -> (i32, i32, i32) {
    %c0_i32 = arith.constant 0 : i32
    %c0_i32_0 = arith.constant 0 : i32
    %c0_i32_1 = arith.constant 0 : i32
    return %c0_i32, %arg0, %c0_i32_0 : i32, i32, i32
  }
  func.func @transform_1(%arg0: i32) -> (i32, i32, i32) {
    %c0_i32 = arith.constant 0 : i32
    %c0_i32_0 = arith.constant 0 : i32
    %c0_i32_1 = arith.constant 0 : i32
    return %c0_i32, %arg0, %c0_i32_0 : i32, i32, i32
  }
  func.func @transform_2(%arg0: i32) -> (i32, i32) {
    %c0_i32 = arith.constant 0 : i32
    %c0_i32_0 = arith.constant 0 : i32
    return %arg0, %c0_i32 : i32, i32
  }
  func.func @transform_3(%arg0: i32) -> (i32, i32) {
    %c0_i32 = arith.constant 0 : i32
    %c0_i32_0 = arith.constant 0 : i32
    return %arg0, %c0_i32 : i32, i32
  }
  func.func @transform_4(%arg0: i32) -> (i32, i32) {
    %c0_i32 = arith.constant 0 : i32
    %c0_i32_0 = arith.constant 0 : i32
    %c0_i32_1 = arith.constant 0 : i32
    return %c0_i32, %c0_i32_0 : i32, i32
  }
  func.func @transform_5(%arg0: i32) -> (i32, i32) {
    %c0_i32 = arith.constant 0 : i32
    %c0_i32_0 = arith.constant 0 : i32
    %c0_i32_1 = arith.constant 0 : i32
    return %c0_i32, %c0_i32_0 : i32, i32
  }
  func.func @transform_6(%arg0: i32) -> (i32, i32) {
    %c0_i32 = arith.constant 0 : i32
    %c0_i32_0 = arith.constant 0 : i32
    %c0_i32_1 = arith.constant 0 : i32
    return %c0_i32, %c0_i32_0 : i32, i32
  }
  func.func @transform_7(%arg0: i32) -> (i32, i32) {
    %c0_i32 = arith.constant 0 : i32
    %c0_i32_0 = arith.constant 0 : i32
    %c0_i32_1 = arith.constant 0 : i32
    return %c0_i32, %c0_i32_0 : i32, i32
  }
  func.func @transform_8(%arg0: i32) -> (i32, i32) {
    %c0_i32 = arith.constant 0 : i32
    %c0_i32_0 = arith.constant 0 : i32
    %c0_i32_1 = arith.constant 0 : i32
    return %c0_i32, %c0_i32_0 : i32, i32
  }
  func.func @transform_9(%arg0: i32) -> (i32, i32) {
    %c0_i32 = arith.constant 0 : i32
    %c0_i32_0 = arith.constant 0 : i32
    %c0_i32_1 = arith.constant 0 : i32
    return %c0_i32, %c0_i32_0 : i32, i32
  }
  func.func @transform_10(%arg0: i32) -> (i32, i32) {
    %c0_i32 = arith.constant 0 : i32
    %c0_i32_0 = arith.constant 0 : i32
    %c0_i32_1 = arith.constant 0 : i32
    return %c0_i32, %c0_i32_0 : i32, i32
  }
  func.func @transform_11(%arg0: i32) -> (i32, i32) {
    %c0_i32 = arith.constant 0 : i32
    %c0_i32_0 = arith.constant 0 : i32
    return %arg0, %c0_i32 : i32, i32
  }
}

</mosaic_0001>

<sc_bundles>
// kernel: kernel.5.cloned.1.call-start
scs
__scs_entry_jumppad:
0x0: {  	(pc) =	sbr.rel $0x88, $3  }
0x1: {  	(tag) =	ssettag $0x0;
	lr =	simm.s32 $0x1  }
0x2: {  	[smem:$0x3F96] =	sst lr;
	_ =	strace $0xD0000000  }
0x3: {  	_ = 	snop  }
0x4: {  	_ = 	snop  }
0x5: {  	_ = 	snop  }
0x6: {  	_ = 	snop  }
0x7: {  	_ = 	snop  }
__scs_overlays_trampoline_lowered:
0x8: {  	[smem:$0x3FA5] =	sst s0  }
0x9: {  	[smem:$0x3FA6] =	sst s1  }
0xa: {  	[smem:$0x3FA7] =	sst s2  }
0xb: {  	[smem:$0x3FA8] =	sst s3  }
0xc: {  	[smem:$0x3FA9] =	sst s4  }
0xd: {  	[smem:$0x3FAA] =	sst s5  }
0xe: {  	[smem:$0x3FAB] =	sst s6  }
0xf: {  	[smem:$0x3FAC] =	sst s7  }
0x10: {  	[smem:$0x3FAD] =	sst s8  }
0x11: {  	[smem:$0x3FAE] =	sst s9;
	s0 =	simm.s32 @!p0 $0x0  }
0x12: {  	s1 =	sld [smem:$0x3F94];
	s0 =	simm.s32 @p0 $0x1  }
0x13: {  	[smem:$0x3FAF] =	sst s0;
	s0 =	simm.s32 @!p1 $0x0  }
0x14: {  	s2 =	sld [smem:$0x3F93];
	s0 =	simm.s32 @p1 $0x1  }
0x15: {  	[smem:$0x3FB0] =	sst s0;
	s0 =	simm.s32 @!p2 $0x0  }
0x16: {  	s3 =	sld [smem:$0x3FDB];
	s0 =	simm.s32 @p2 $0x1  }
0x17: {  	s4 =	simm.s32 $0x1BF5;
	[smem:$0x3FB2] =	sst s0  }
0x18: {  	s0 =	sld [smem:$0x3F95];
	_ =	swait.ge [sflag:s4], $0x0  }
0x19: {  	s7 =	sld [smem:$0x3F96]  }
0x1a: {  	s8 =	sadd.s32 $0xFFFFE003, lr  }
0x1b: {  	s9 =	sadd.s32 $0xFFFFFEF7, lr;
	s5 =	simm.s32 $0xFFFFFFFF;
	p2 =	slt.u32 s8, $0xFFFFF086  }
0x1c: {  	p1 =	slt.u32 s9, $0xF7A;
	s5 =	simm.s32 @!p2 $0x0  }
0x1d: {  	s5 =	simm.s32 @p1 $0x1;
	p0 =	seq.s32 s7, s2  }
0x1e: {  	s7 =	smul.u32 @!p0 $0xF7A, s2;
	p2 =	seq.s32 @!p0 s5, $0x0  }
0x1f: {  	s9 =	smul.u32 $0xF7A, s1;
	s8 =	simm.s32 @!p0 $0x1BF5;
	p2 =	por !p2, p0  }
0x20: {  	[sflag:s8] =	ssyncset.s32 @!p0 $0xFFFFF086;
	s6 =	sadd.s32 @!p0 s3, s7;
	s7 =	simm.s32 @!p0 $0x108  }
0x21: {  	s3 =	sadd.s32 s3, s9;
	s6 =	sadd.s32 @!p0 $0x88, s6;
	s7 =	simm.s32 @p2 $0x1082  }
0x22: {  	[simem:s7], [sflag:s8] =	dma.local @!p0 [hbm:s6], $0xF7A  }
0x23: {  	s9 =	sor.u32 $0xD0000000, s2;
	s6 =	simm.s32 $0x108;
	_ =	swait.ge @!p0 [sflag:s8], $0x0  }
0x24: {  	s3 =	sadd.s32 $0x88, s3;
	s6 =	simm.s32 @!p1 $0x1082;
	[sflag:s4] =	ssyncset.s32 $0xFFFFF086  }
0x25: {  	[simem:s6], [sflag:s4] =	dma.local [hbm:s3], $0xF7A  }
0x26: {  	[smem:$0x3F96] =	sst s1;
	(tag) =	ssettag s2;
	_ =	strace s9  }
0x27: {  	s1 =	sld [smem:$0x3FA6]  }
0x28: {  	s2 =	sld [smem:$0x3FA7]  }
0x29: {  	s4 =	sld [smem:$0x3FA9]  }
0x2a: {  	p0 =	seq.s32 s5, $0x0;
	s5 =	sld [smem:$0x3FAA]  }
0x2b: {  	s6 =	sld [smem:$0x3FAB]  }
0x2c: {  	s7 =	sld [smem:$0x3FAC]  }
0x2d: {  	s3 =	simm.s32 $0x108;
	s8 =	sld [smem:$0x3FAD]  }
0x2e: {  	s3 =	simm.s32 @!p0 $0x1082;
	s9 =	sld [smem:$0x3FAE]  }
0x2f: {  	lr =	sadd.s32 s0, s3;
	s0 =	sld [smem:$0x3FA5]  }
0x30: {  	s3 =	sld [smem:$0x3FA8]  }
0x31: {  	[smem:$0x3FB1] =	sst s10  }
0x32: {  	s10 =	sld [smem:$0x3FAF];
	_ =	sdelay $0x3  }
0x33: {  	p0 =	seq.s32 s10, $0x1;
	s10 =	sld [smem:$0x3FB1];
	_ =	sdelay $0x3  }
0x34: {  	[smem:$0x3FB1] =	sst s10  }
0x35: {  	s10 =	sld [smem:$0x3FB0];
	_ =	sdelay $0x3  }
0x36: {  	p1 =	seq.s32 s10, $0x1;
	s10 =	sld [smem:$0x3FB1];
	_ =	sdelay $0x3  }
0x37: {  	[smem:$0x3FB1] =	sst s10  }
0x38: {  	s10 =	sld [smem:$0x3FB2]  }
0x39: {  	_ = 	snop;
	(pc) =	sbr.ind lr, $3  }
0x3a: {  	_ = 	snop  }
0x3b: {  	_ = 	snop  }
0x3c: {  	p2 =	seq.s32 s10, $0x1;
	s10 =	sld [smem:$0x3FB1]  }
0x3d: {  	_ =	shalt  }
0x3e: {  	_ =	shalt  }
0x3f: {  	_ =	shalt  }
0x40: {  	_ =	shalt  }
0x41: {  	_ =	shalt  }
0x42: {  	_ =	shalt  }
0x43: {  	_ =	shalt  }
0x44: {  	_ =	shalt  }
0x45: {  	_ =	shalt  }
0x46: {  	_ =	shalt  }
0x47: {  	_ =	shalt  }
0x48: {  	_ =	shalt  }
0x49: {  	_ =	shalt  }
0x4a: {  	_ =	shalt  }
0x4b: {  	_ =	shalt  }
0x4c: {  	_ =	shalt  }
0x4d: {  	_ =	shalt  }
0x4e: {  	_ =	shalt  }
0x4f: {  	_ =	shalt  }
0x50: {  	_ =	shalt  }
0x51: {  	_ =	shalt  }
0x52: {  	_ =	shalt  }
0x53: {  	_ =	shalt  }
0x54: {  	_ =	shalt  }
0x55: {  	_ =	shalt  }
0x56: {  	_ =	shalt  }
0x57: {  	_ =	shalt  }
0x58: {  	_ =	shalt  }
0x59: {  	_ =	shalt  }
0x5a: {  	_ =	shalt  }
0x5b: {  	_ =	shalt  }
0x5c: {  	_ =	shalt  }
0x5d: {  	_ =	shalt  }
0x5e: {  	_ =	shalt  }
0x5f: {  	_ =	shalt  }
0x60: {  	_ =	shalt  }
0x61: {  	_ =	shalt  }
0x62: {  	_ =	shalt  }
0x63: {  	_ =	shalt  }
0x64: {  	_ =	shalt  }
0x65: {  	_ =	shalt  }
0x66: {  	_ =	shalt  }
0x67: {  	_ =	shalt  }
0x68: {  	_ =	shalt  }
0x69: {  	_ =	shalt  }
0x6a: {  	_ =	shalt  }
0x6b: {  	_ =	shalt  }
0x6c: {  	_ =	shalt  }
0x6d: {  	_ =	shalt  }
0x6e: {  	_ =	shalt  }
0x6f: {  	_ =	shalt  }
0x70: {  	_ =	shalt  }
0x71: {  	_ =	shalt  }
0x72: {  	_ =	shalt  }
0x73: {  	_ =	shalt  }
0x74: {  	_ =	shalt  }
0x75: {  	_ =	shalt  }
0x76: {  	_ =	shalt  }
0x77: {  	_ =	shalt  }
0x78: {  	_ =	shalt  }
0x79: {  	_ =	shalt  }
0x7a: {  	_ =	shalt  }
0x7b: {  	_ =	shalt  }
0x7c: {  	_ =	shalt  }
0x7d: {  	_ =	shalt  }
0x7e: {  	_ =	shalt  }
0x7f: {  	_ =	shalt  }
0x80: {  	_ =	shalt  }
0x81: {  	_ =	shalt  }
0x82: {  	_ =	shalt  }
0x83: {  	_ =	shalt  }
0x84: {  	_ =	shalt  }
0x85: {  	_ =	shalt  }
0x86: {  	_ =	shalt  }
0x87: {  	_ =	shalt  }
.Lfunc_end0:
.L_simem_size_0:
called_computation_lowered:
.L_overlay_start_0:
0x88: {  	s2 =	sld [smem:$0x3FD9]  }
0x89: {  	s3 =	sld [smem:$0x3FFE];
	_ =	sdelay $0x1  }
0x8a: {  	s1 =	srdreg.scid  }
0x8b: {  	s0 =	sand.u32 $0x1, s1  }
0x8c: {  	s17 =	sshll.u32 s0, $0xA;
	s2 =	sadd.s32 s3, s2  }
0x8d: {  	s2 =	sadd.s32 s2, s17  }
0x8e: {  	[smem:$0x3FBD] =	sst s2  }
0x8f: {  	_ = 	snop  }
0x90: {  	s2 =	sld [smem:$0x3FD0];
	(tm) =	ssettm $0x1  }
0x91: {  	s18 =	sld [smem:$0x3FFB];
	_ =	sdelay $0x3  }
0x92: {  	_ =	strace s18  }
0x93: {  	s3 =	sld [smem:$0x3FFC];
	_ =	sdelay $0x3  }
0x94: {  	_ =	strace s3  }
0x95: {  	s3 =	sld [smem:$0x3FFD];
	_ =	sdelay $0x3  }
0x96: {  	_ =	strace s3  }
0x97: {  	_ =	strace $0x8FFFFFFF  }
0x98: {  	s19 =	sld [smem:$0x3FDB];
	_ =	sdelay $0x1  }
0x99: {  	s4 =	simm.s32 $_scs_section_size  }
0x9a: {  	s5 =	simm.s32 $_size__tile_overlayer_lowered;
	s6 =	simm.s32 $_tile_overlayer_lowered  }
0x9b: {  	s22 =	simm.s32 $0x1BFF;
	s21 =	sshll.u32 s6, $0x1;
	s3 =	sadd.s32 s4, s19  }
0x9c: {  	s7 =	simm.s32 $0x0;
	s20 =	sshll.u32 s5, $0x1;
	s5 =	sadd.s32 s21, s3  }
0x9d: {  	[timem:s7], [sflag:s22] =	dma.local [hbm:s5], s20  }
0x9e: {  	_ =	swait.ge [sflag:s22], s20  }
0x9f: {  	s4 =	ssub.s32 $0x0, s20;
	[sflag:s22] =	ssyncset.done $0x0  }
0xa0: {  	[sflag:s22] =	ssyncadd.s32 s4;
	_ =	sdelay $0x1  }
0xa1: {  	s23 =	simm.s32 $0x1B8B  }
0xa2: {  	_ =	swait.ge [sflag:s23], $0x1  }
0xa3: {  	[sflag:s23] =	ssyncset.done $0x0  }
0xa4: {  	s25 =	simm.s32 $0x1B8E;
	s24 =	sld [smem:$0x3FFE];
	[sflag:s23] =	ssyncadd.s32 $0xFFFFFFFF  }
0xa5: {  	s26 =	simm.s32 $execute0_lowered;
	[smem:$0x3FD2] =	sst s25  }
0xa6: {  	s5 =	sshll.u32 s26, $0x1;
	_ =	strace $0x80000046;
	[dreg:$0x1] =	wrdreg $0xFFFFFFFF  }
0xa7: {  	s28 =	simm.s32 $_size_execute0_lowered;
	s3 =	sadd.s32 s3, s5;
	[dreg:$0x0] =	wrdreg $0x0  }
0xa8: {  	s5 =	sshll.u32 s28, $0x1;
	[dreg:$0x2] =	wrdreg s3  }
0xa9: {  	[dreg:$0x3] =	wrdreg s5  }
0xaa: {  	[dreg:$0x4] =	wrdreg $0xC0  }
0xab: {  	_ =	task [dreg:s7], $0x5FFFF  }
0xac: {  	[dreg:$0x1] =	wrdreg $0xFFFFFFFF  }
0xad: {  	[dreg:$0x0] =	wrdreg $0x60  }
0xae: {  	[dreg:$0x2] =	wrdreg s24  }
0xaf: {  	[dreg:$0x3] =	wrdreg s2  }
0xb0: {  	[dreg:$0x4] =	wrdreg $0x88E00  }
0xb1: {  	[dreg:$0x5] =	wrdreg $0x9  }
0xb2: {  	_ =	task.clear_ibuf [dreg:s7], $0x6FFFF;
	_ =	strace $0x90000046  }
0xb3: {  	s29 =	simm.s32 $0x9;
	_ =	strace $0x80000048  }
0xb4: {  	_ =	swait.ge [sflag:s29], $0x1  }
0xb5: {  	[sflag:s29] =	ssyncadd.s32 $0xFFFFFFFF  }
0xb6: {  	_ =	strace $0x90000048  }
0xb7: {  	_ =	sfence  }
0xb8: {  	s30 =	sld [smem:$0x0];
	_ =	sdelay $0x2  }
0xb9: {  	s31 =	sshll.u32 s1, $0xD;
	s1 =	sshrl.u32 s1, $0x2  }
0xba: {  	s3 =	sand.u32 $0x4000, s31;
	s1 =	sadd.s32 s1, s30  }
0xbb: {  	s0 =	sor.u32 s3, s0;
	s1 =	sshll.u32 s1, $0x11  }
0xbc: {  	s0 =	sor.u32 s1, s0  }
0xbd: {  	s0 =	sadd.s32 $0x8F2B, s0  }
0xbe: {  	[sflag:s0] =	ssyncadd.remote.s32 $0x1  }
0xbf: {  	_ =	sfence.sel $0xFFFF  }
0xc0: {  	[dreg:$0x0] =	wrdreg $0xFFFFFFFF;
	(pc) =	sbr.abs _section_cstart, $3  }
0xc1: {  	[dreg:$0x1] =	wrdreg $0xFFFFFFFF  }
0xc2: {  	_ =	task.clear_ibuf [dreg:s7], $0x2FFFF;
	_ =	strace $0x9FFFFFFF  }
0xc3: {  	(tm) =	ssettm $0x7FFFFFFF  }
tec
execute0_lowered:
.L_overlay_start_1:
0x0: {  	(tag) =	ssettag $0x1  }
0x1: {  	s0 =	rddreg [dreg:$0x0]  }
0x2: {  	s2 =	rddreg [dreg:$0x1]  }
0x3: {  	s3 =	rddreg [dreg:$0x2];
	s12 =	stileid.u32  }
0x4: {  	s1 =	srdreg.scid;
	s5 =	simm.s32 $0x0;
	s4 =	smul.u32 $0x16800, s12  }
0x5: {  	s17 =	simm.s32 $0x3;
	s18 =	simm.s32 $0x64;
	s7 =	smul.u32 $0x14000, s12  }
0x6: {  	s19 =	simm.s32 $0x1860;
	s1 =	sand.u32 $0x1, s1;
	s22 =	smul.u32 $0x2800, s12  }
0x7: {  	[smem:$0x7FF] =	sst s5;
	s5 =	sadd.s32 $0x50000, s0;
	s6 =	smul.u32 $0x140000, s1  }
0x8: {  	s29 =	sshll.u32 s12, $0x6;
	_ =	strace $0x80000047;
	s9 =	smul.u32 $0x28000, s1  }
0x9: {  	s10 =	sshll.u32 s1, $0x4;
	s1 =	ssub.s32 $0x2, s1;
	s8 =	sshrl.u32 s4, $0x3  }
0xa: {  	s23 =	sor.u32 s12, s10;
	s25 =	sshrl.u32 s1, $0x1;
	s4 =	sadd.s32 s4, s3  }
0xb: {  	s6 =	sadd.s32 s7, s6;
	s8 =	sadd.s32 s8, s0;
	s7 =	sadd.s32 s22, s9  }
0xc: {  	s1 =	ssub.s32 s1, s25;
	s11 =	sshrl.u32 s6, $0x3;
	s8 =	sadd.s32 $0x1E00, s8  }
0xd: {  	s6 =	smul.u32 $0x28A0, s23;
	s1 =	smax.u32 s1, $0x1;
	[dreg:$0x5] =	wrdreg s8  }
0xe: {  	s7 =	sshrl.u32 s7, $0x3;
	s8 =	sor.u32 $0x1C04, s29;
	[dreg:$0xa] =	wrdreg s1  }
0xf: {  	s24 =	sadd.s32 s11, s0;
	s1 =	sshrl.u32 s4, $0x3;
	[dreg:$0x6] =	wrdreg s8  }
0x10: {  	s0 =	sadd.s32 s7, s0;
	s30 =	sadd.s32 $0x7C000, s24;
	[dreg:$0xb] =	wrdreg s1  }
0x11: {  	s26 =	sshrl.u32 s6, $0x3;
	s0 =	sadd.s32 $0x2EE00, s0;
	[dreg:$0x8] =	wrdreg s30  }
0x12: {  	s31 =	sadd.s32 $0x80, s4;
	s7 =	sadd.s32 s2, s26;
	[dreg:$0x9] =	wrdreg s0  }
0x13: {  	s20 =	simm.s32 $0x50A0;
	s0 =	sshrl.u32 s31, $0x3;
	[dreg:$0x4] =	wrdreg s7  }
0x14: {  	s21 =	simm.s32 $0x1;
	s7 =	sadd.s32 $0xA280, s7;
	[dreg:$0xc] =	wrdreg s0  }
0x15: {  	s28 =	simm.s32 $0x0;
	s4 =	simm.s32 $0x4;
	[dreg:$0x7] =	wrdreg s7  }
.LBB2_1:
0x16: {  	s0 =	rddreg [dreg:$0x5]  }
0x17: {  	[spmem:s1], [sflag:s8] =	dma.local [hbm:s0], $0x2D00  }
0x18: {  	_ =	swait.ge [sflag:s4], $0x2D00  }
0x19: {  	[sflag:s4] =	ssyncset.done $0x0  }
0x1a: {  	[sflag:s4] =	ssyncadd.s32 $0xFFFFD300  }
0x1b: {  	s23 =	simm.s32 $0x0;
	s26 =	simm.s32 $0x410;
	[bflag:$0x0] =	sbarrier.arrive $0xFFFF  }
0x1c: {  	s29 =	simm.s32 $0xFFFFFFFF;
	s30 =	simm.s32 $0xFFFFFF98;
	s24 =	rddreg [dreg:$0x4]  }
0x1d: {  	[tilespmem:s23], [sflag:$0x3] =	stream.linear.gather [hbm4b:s24+s23], $0x410, $0x38;
	[tilespmem:$0x1F0E0] =	vst v63  }
0x1e: {  	s31 =	simm.s32 $0x0;
	s16 =	simm.s32 $0x1A0;
	s25 =	rddreg [dreg:$0x7]  }
0x1f: {  	[tilespmem:s26], [sflag:$0x3] =	stream.linear.gather [hbm4b:s25+s23], $0x410, $0x38;
	[tilespmem:$0x1F0E0] =	vst v63  }
0x20: {  	s0 =	simm.s32 $0x0;
	s1 =	simm.s32 $0x0;
	s23 =	simm.s32 $0x0  }
.LBB2_3:
0x21: {  	s4 =	smov.u32 s23  }
0x22: {  	s23 =	sadd.s32 $0x1, s23;
	p0 =	seq.s32 s4, $0x9  }
0x23: {  	s4 =	smul.u32 @!p0 $0xAB, s23;
	_ =	sdelay $0x1  }
0x24: {  	s11 =	smulhi.u32 $0x88888889, s29;
	s4 =	sshrl.u32 @!p0 s4, $0x9  }
0x25: {  	s12 =	smulhi.u32 $0x88888889, s1;
	s4 =	sand.u32 @!p0 $0x7F, s4  }
0x26: {  	s4 =	smul.u32 @!p0 $0x3, s4  }
0x27: {  	_ =	swait.ge [sflag:s17], $0x410;
	s13 =	smulhi.u32 $0xCCCCCCCD, s1  }
0x28: {  	[sflag:s17] =	ssyncset.done $0x0;
	s8 =	smul.u32 @!p0 $0x410, s23;
	s4 =	ssub.s32 @!p0 s23, s4  }
0x29: {  	s24 =	smulhi.u32 $0xCCCCCCCD, s29;
	[sflag:s17] =	ssyncadd.s32 $0xFFFFFBF0;
	s4 =	sand.u32 @!p0 $0xFF, s4  }
0x2a: {  	_ =	swait.ge [sflag:s17], $0x410;
	s8 =	sadd.s32 @!p0 s6, s8;
	s4 =	smul.u32 @!p0 $0x2080, s4  }
0x2b: {  	s10 =	simm.s32 @!p0 $0x0;
	[sflag:s17] =	ssyncset.done $0x0;
	s8 =	sshrl.u32 @!p0 s8, $0x3  }
0x2c: {  	[sflag:s17] =	ssyncadd.s32 $0xFFFFFBF0;
	s8 =	sadd.s32 @!p0 s2, s8;
	s4 =	sshrl.u32 @!p0 s4, $0x2  }
0x2d: {  	[tilespmem:s4], [sflag:$0x3] =	stream.linear.gather @!p0 [hbm4b:s8+s10], $0x410, $0x38;
	[tilespmem:$0x1F0E0] =	vst v63  }
0x2e: {  	s24 =	sshrl.u32 s24, $0x3;
	s4 =	sadd.s32 @!p0 $0x410, s4;
	s8 =	sadd.s32 @!p0 $0xA280, s8  }
0x2f: {  	[tilespmem:s4], [sflag:$0x3] =	stream.linear.gather @!p0 [hbm4b:s8+s10], $0x410, $0x38;
	[tilespmem:$0x1F0E0] =	vst v63  }
0x30: {  	s24 =	smul.u32 $0x1040, s24;
	s8 =	sshrl.u32 s12, $0x4  }
0x31: {  	s10 =	sshrl.u32 s13, $0x3;
	s4 =	sshrl.u32 s11, $0x4;
	s8 =	smul.u32 $0x6180, s8  }
0x32: {  	s11 =	sadd.s32 $0x1, s29;
	p0 =	seq.s32 s31, $0x0;
	s10 =	smul.u32 $0x1040, s10  }
0x33: {  	s11 =	smulhi.u32 $0xCCCCCCCD, s11;
	s12 =	simm.s32 @!p0 $0x50A0  }
0x34: {  	s13 =	smul.u32 $0x6180, s4;
	s26 =	simm.s32 @!p0 $0x2;
	s8 =	ssub.s32 s10, s8  }
0x35: {  	s10 =	ssub.s32 s16, s10;
	s15 =	sshrl.u32 s11, $0x3;
	s11 =	simm.s32 @!p0 $0x1  }
0x36: {  	s13 =	ssub.s32 s24, s13;
	s8 =	sshra.s32 s8, $0x2;
	s7 =	smulhi.u32 $0x55555556, s15  }
0x37: {  	_ =	swait.ge @!p0 [sflag:s11], $0x3840;
	s13 =	sshra.s32 s13, $0x2;
	s14 =	sadd.s32 s8, s0  }
0x38: {  	s10 =	sadd.s32 @!p0 $0x0, s10;
	[sflag:s11] =	ssyncset.done @!p0 $0x0;
	s4 =	sadd.s32 $0x0, s14  }
0x39: {  	[sflag:s11] =	ssyncadd.s32 @!p0 $0xFFFFC7C0;
	s7 =	smul.u32 $0x3, s7;
	s22 =	sadd.s32 $0x410, s4  }
0x3a: {  	[tilespmem:s19], [sflag:$0x1] =	stream.indirect.gather [hbm4b:s5+s18], $0x90, s22, s18, $0xb8;
	[tilespmem:$0x1F0E0] =	vst v63  }
0x3b: {  	s13 =	sadd.s32 s13, s30;
	s10 =	simm.s32 @p0 $0x1A0;
	_ =	swait.ge @!p0 [sflag:s26], $0x3840  }
0x3c: {  	s8 =	sadd.s32 @!p0 $0x0, s13;
	s7 =	ssub.s32 s15, s7;
	[sflag:s26] =	ssyncset.done @!p0 $0x0  }
0x3d: {  	s11 =	simm.s32 @!p0 $0x64;
	s7 =	smul.u32 $0x2080, s7;
	[sflag:s26] =	ssyncadd.s32 @!p0 $0xFFFFC7C0  }
0x3e: {  	[spmem:s3] =	stream.indirect.scatter.add.f32 @!p0 [tilespmem:s12], [sflag:$0x2], $0x90, s8, s11, $0xb8;
	[tilespmem:$0x1F0E0] =	vst v63  }
0x3f: {  	s25 =	sshra.s32 s10, $0x2;
	s7 =	sshrl.u32 s7, $0x2;
	_ =	swait.ge @!p0 [sflag:s26], $0x3840  }
0x40: {  	s7 =	sadd.s32 s25, s7;
	[sflag:s26] =	ssyncset.done @!p0 $0x0  }
0x41: {  	s24 =	simm.s32 $0x340;
	s7 =	sadd.s32 $0x410, s7;
	[sflag:s26] =	ssyncadd.s32 @!p0 $0xFFFFC7C0  }
0x42: {  	[tilespmem:s20], [sflag:$0x2] =	stream.indirect.gather [hbm4b:s5+s18], $0x90, s7, s18, $0xb8;
	[tilespmem:$0x1F0E0] =	vst v63  }
0x43: {  	s10 =	sadd.s32 $0x2, s1;
	s8 =	sadd.s32 $0x2, s29;
	_ =	swait.ge [sflag:s21], $0x3840  }
.LBB2_4:
0x44: {  	s7 =	smulhi.u32 $0x88888889, s8;
	[sflag:s21] =	ssyncset.done $0x0  }
0x45: {  	s11 =	smov.u32 s24;
	s24 =	sadd.s32 $0x340, s24;
	s12 =	smulhi.u32 $0x88888889, s10  }
0x46: {  	s13 =	smulhi.u32 $0xCCCCCCCD, s8;
	p0 =	seq.s32 s24, $0x1040;
	[sflag:s21] =	ssyncadd.s32 $0xFFFFC7C0  }
0x47: {  	[spmem:s3] =	stream.indirect.scatter.add.f32 [tilespmem:s19], [sflag:$0x1], $0x90, s4, s18, $0xb8;
	[tilespmem:$0x1F0E0] =	vst v63  }
0x48: {  	s25 =	sadd.s32 $0x1, s8;
	s4 =	smulhi.u32 $0xCCCCCCCD, s10  }
0x49: {  	s25 =	smulhi.u32 $0xCCCCCCCD, s25;
	s12 =	sshrl.u32 s12, $0x4  }
0x4a: {  	s7 =	sshrl.u32 s7, $0x4;
	s12 =	smul.u32 $0x6180, s12;
	s4 =	sshrl.u32 s4, $0x3  }
0x4b: {  	s26 =	sshra.s32 s11, $0x2;
	s13 =	sshrl.u32 s13, $0x3;
	s4 =	smul.u32 $0x1040, s4  }
0x4c: {  	p1 =	seq.s32 s31, s11;
	s13 =	smul.u32 $0x1040, s13  }
0x4d: {  	s14 =	simm.s32 @!p1 $0x50A0;
	s7 =	smul.u32 $0x6180, s7;
	s12 =	ssub.s32 s4, s12  }
0x4e: {  	s9 =	ssub.s32 s16, s4;
	s4 =	sshra.s32 s12, $0x2;
	s12 =	sshra.s32 @!p1 s11, $0x2  }
0x4f: {  	s22 =	simm.s32 @!p1 $0x1;
	s25 =	sshrl.u32 s25, $0x3;
	s4 =	sadd.s32 s4, s0  }
0x50: {  	s15 =	smulhi.u32 $0x55555556, s25;
	s7 =	ssub.s32 s13, s7;
	s4 =	sadd.s32 s26, s4  }
0x51: {  	s7 =	sshra.s32 s7, $0x2;
	s13 =	sadd.s32 $0x410, s4;
	_ =	swait.ge @!p1 [sflag:s22], $0x3840  }
0x52: {  	s15 =	smul.u32 $0x3, s15;
	s26 =	simm.s32 @!p1 $0x2;
	[sflag:s22] =	ssyncset.done @!p1 $0x0  }
0x53: {  	s7 =	sadd.s32 s7, s30;
	s9 =	sadd.s32 @!p1 s9, s11;
	[sflag:s22] =	ssyncadd.s32 @!p1 $0xFFFFC7C0  }
0x54: {  	[tilespmem:s19], [sflag:$0x1] =	stream.indirect.gather [hbm4b:s5+s18], $0x90, s13, s18, $0xb8;
	[tilespmem:$0x1F0E0] =	vst v63  }
0x55: {  	s7 =	sadd.s32 @!p1 s12, s7;
	s13 =	ssub.s32 s25, s15;
	_ =	swait.ge @!p1 [sflag:s26], $0x3840  }
0x56: {  	s12 =	simm.s32 @!p1 $0x64;
	s9 =	simm.s32 @p1 $0x1A0;
	[sflag:s26] =	ssyncset.done @!p1 $0x0  }
0x57: {  	s9 =	sshra.s32 s9, $0x2;
	s11 =	smul.u32 $0x2080, s13;
	[sflag:s26] =	ssyncadd.s32 @!p1 $0xFFFFC7C0  }
0x58: {  	[spmem:s3] =	stream.indirect.scatter.add.f32 @!p1 [tilespmem:s14], [sflag:$0x2], $0x90, s7, s12, $0xb8;
	[tilespmem:$0x1F0E0] =	vst v63  }
.Ltmp0:
0x59: {  	s7 =	sshrl.u32 s11, $0x2;
	_ =	swait.ge @!p1 [sflag:s26], $0x3840;
	(pc) =	sbr.rel @!p0 .LBB2_4-.Ltmp0, $4  }
0x5a: {  	s7 =	sadd.s32 s9, s7;
	[sflag:s26] =	ssyncset.done @!p1 $0x0  }
0x5b: {  	s7 =	sadd.s32 $0x410, s7;
	[sflag:s26] =	ssyncadd.s32 @!p1 $0xFFFFC7C0  }
0x5c: {  	[tilespmem:s20], [sflag:$0x2] =	stream.indirect.gather [hbm4b:s5+s18], $0x90, s7, s18, $0xb8;
	[tilespmem:$0x1F0E0] =	vst v63  }
0x5d: {  	s8 =	sadd.s32 $0x2, s8;
	s10 =	sadd.s32 $0x2, s10;
	_ =	swait.ge [sflag:s21], $0x3840  }
0x5e: {  	[sflag:s21] =	ssyncset.done $0x0  }
0x5f: {  	[sflag:s21] =	ssyncadd.s32 $0xFFFFC7C0  }
0x60: {  	[spmem:s3] =	stream.indirect.scatter.add.f32 [tilespmem:s19], [sflag:$0x1], $0x90, s4, s18, $0xb8;
	[tilespmem:$0x1F0E0] =	vst v63  }
0x61: {  	p0 =	seq.s32 s23, $0xA  }
.Ltmp1:
0x62: {  	_ = 	snop;
	(pc) =	sbr.rel @!p0 .LBB2_3-.Ltmp1, $3  }
0x63: {  	_ =	sdelay $0x1  }
0x64: {  	s29 =	sadd.s32 $0xA, s29;
	s30 =	sadd.s32 $0x410, s30;
	s16 =	sadd.s32 $0x1040, s16  }
0x65: {  	s1 =	sadd.s32 $0xA, s1;
	s0 =	sadd.s32 $0x410, s0;
	s31 =	sadd.s32 $0xFFFFEFC0, s31  }
0x66: {  	s7 =	simm.s32 $0x2  }
0x67: {  	_ =	swait.ge [sflag:s7], $0x3840  }
0x68: {  	[sflag:s7] =	ssyncset.done $0x0  }
0x69: {  	s0 =	simm.s32 $0x3A8;
	[sflag:s7] =	ssyncadd.s32 $0xFFFFC7C0  }
0x6a: {  	[spmem:s3] =	stream.indirect.scatter.add.f32 [tilespmem:s20], [sflag:$0x2], $0x90, s0, s18, $0xb8;
	[tilespmem:$0x1F0E0] =	vst v63  }
0x6b: {  	_ =	swait.ge [sflag:s21], $0x3840  }
0x6c: {  	[sflag:s21] =	ssyncset.done $0x0  }
0x6d: {  	[sflag:s21] =	ssyncadd.s32 $0xFFFFC7C0  }
0x6e: {  	_ =	swait.ge [sflag:s7], $0x3840  }
0x6f: {  	[sflag:s7] =	ssyncset.done $0x0  }
0x70: {  	[sflag:s7] =	ssyncadd.s32 $0xFFFFC7C0  }
0x71: {  	[bflag:$0x0] =	sbarrier.arrive $0xFFFF  }
0x72: {  	s8 =	rddreg [dreg:$0x6]  }
0x73: {  	s29 =	rddreg [dreg:$0x8]  }
0x74: {  	s4 =	simm.s32 $0x10;
	s10 =	simm.s32 $0x12;
	s1 =	rddreg [dreg:$0xb]  }
0x75: {  	[hbm:s29@s4], [sflag:s8] =	dma.strided [spmem:s1@s10], $0x2800, s21, $0x10   }
0x76: {  	s4 =	simm.s32 $0x4  }
0x77: {  	_ =	swait.ge [sflag:s4], $0x2800  }
0x78: {  	[sflag:s4] =	ssyncset.done $0x0;
	s30 =	rddreg [dreg:$0x9]  }
0x79: {  	s9 =	rddreg [dreg:$0xc];
	[sflag:s4] =	ssyncadd.s32 $0xFFFFD800  }
0x7a: {  	[hbm:s30@s7], [sflag:s8] =	dma.strided [spmem:s9@s10], $0x500, s21, $0x2   }
0x7b: {  	_ =	swait.ge [sflag:s4], $0x500  }
0x7c: {  	s28 =	sadd.s32 $0x1, s28;
	s31 =	rddreg [dreg:$0xa]  }
0x7d: {  	p0 =	sne.s32 s28, s31  }
.Ltmp2:
0x7e: {  	_ = 	snop;
	(pc) =	sbr.rel @p0 .LBB2_1-.Ltmp2, $3  }
0x7f: {  	_ =	sdelay $0x1  }
0x80: {  	[sflag:s4] =	ssyncset.done $0x0  }
0x81: {  	[sflag:s4] =	ssyncadd.s32 $0xFFFFFB00  }
0x82: {  	_ =	sfence.sel $0x180000  }
0x83: {  	[bflag:$0x0] =	sbarrier.arrive $0xFFFF  }
0x84: {  	_ =	strace $0x90000047  }
0x85: {  	s0 =	stileid.u32;
	[bflag:$0x2] =	sbarrier.arrive $0xFFFF  }
0x86: {  	p0 =	sne.s32 s0, $0x0;
	s0 =	rddreg [dreg:$0x3]  }
0x87: {  	s0 =	sadd.s32 @!p0 $0x100000, s0  }
0x88: {  	[sflag:s0] =	ssyncadd.tile.s32 @!p0 $0x1;
	_ =	shalt  }
.Lfunc_end2:
_tile_overlayer_lowered:
.L_overlay_start_2:
0x89: {  	(tag) =	ssettag $0x2  }
0x8a: {  	s0 =	rddreg [dreg:$0x0];
	s2 =	stileid.u32  }
0x8b: {  	s1 =	rddreg [dreg:$0x1];
	p0 =	sne.s32 s2, $0x0  }
0x8c: {  	s3 =	rddreg [dreg:$0x2];
	[bflag:$0x3] =	sbarrier.arrive $0xFFFF;
	s2 =	simm.s32 @!p0 $0x1C04  }
0x8d: {  	[timem:s3], [sflag:s2] =	dma.local @!p0 [hbm:s0], s1  }
0x8e: {  	s0 =	simm.s32 @!p0 $0x4  }
0x8f: {  	_ =	swait.ge @!p0 [sflag:s0], s1  }
0x90: {  	s1 =	ssub.s32 @!p0 $0x0, s1;
	[sflag:s0] =	ssyncset.done @!p0 $0x0  }
0x91: {  	[sflag:s0] =	ssyncadd.s32 @!p0 s1  }
0x92: {  	[bflag:$0x3] =	sbarrier.arrive $0xFFFF  }
0x93: {  	_ =	shalt  }

</sc_bundles>
